<compile_context>
chip_gen: v7x
topology: tpu7x:2x2x1
jax: 0.10.2.dev20260603
libtpu: 0.0.44.dev20260713+nightly
codegen_flags: <defaults>
</compile_context>

<pallas_src>
import functools

import numpy as np
import jax
import jax.numpy as jnp
from jax import lax
from jax.experimental import pallas as pl
from jax.experimental.pallas import tpu as pltpu
from jax.experimental.pallas import tpu_sc as plsc

N_NODES = 10000
N_EDGES = 160000
D_IN = 128
D_OUT = 15

NC = 2
NS = 16
NW = NC * NS
CHUNK = 125
NSLICE = 1
ES = N_EDGES // NSLICE
EW = ES // NW
CH = EW // CHUNK
RPT = N_NODES // NS
BE = 8000
QB = BE // 8

_q = np.arange(ES)
_EDGE_OF_SLOT = ((_q // 8 // QB) * BE + (_q % 8) * QB + (_q // 8) % QB)

_U_SEL = [0, 1, 2, 3, 4, 4, 4, 5, 5, 5, 6, 6, 6, 6, 6]
_S_SEL = [0, 0, 0, 0, 1, 2, 3, 1, 2, 3, 4, 5, 6, 7, 8]


def _sc_gather(nf, src2d):
    mesh = plsc.VectorSubcoreMesh(core_axis_name="c", subcore_axis_name="s")

    @functools.partial(
        pl.kernel,
        mesh=mesh,
        out_type=jax.ShapeDtypeStruct((ES, D_IN), jnp.float32),
        scratch_types=[
            pltpu.VMEM((CH, CHUNK), jnp.int32),
            pltpu.VMEM((CHUNK, D_IN), jnp.float32),
            pltpu.VMEM((CHUNK, D_IN), jnp.float32),
            pltpu.SemaphoreType.DMA,
            pltpu.SemaphoreType.DMA,
        ],
        compiler_params=pltpu.CompilerParams(use_tc_tiling_on_sc=False),
    )
    def k(nf_hbm, src_hbm, out_hbm, idx_v, buf0, buf1, sem0, sem1):
        c = lax.axis_index("c")
        s = lax.axis_index("s")
        wid = s * NC + c
        pltpu.sync_copy(src_hbm.at[pl.ds(wid * CH, CH)], idx_v)
        bufs = (buf0, buf1)
        sems = (sem0, sem1)
        pltpu.async_copy(nf_hbm.at[idx_v.at[0]], buf0, sem0)

        def body(j, carry):
            slot = lax.rem(j, 2)

            def step(b, sm, other_b, other_sm):
                @pl.when(j + 1 < CH)
                def _start():
                    pltpu.async_copy(nf_hbm.at[idx_v.at[j + 1]], other_b, other_sm)

                pltpu.make_async_copy(nf_hbm.at[idx_v.at[j]], b, sm).wait()
                pltpu.sync_copy(b, out_hbm.at[pl.ds(wid * EW + j * CHUNK, CHUNK)])

            @pl.when(slot == 0)
            def _even():
                step(bufs[0], sems[0], bufs[1], sems[1])

            @pl.when(slot == 1)
            def _odd():
                step(bufs[1], sems[1], bufs[0], sems[0])

            return carry

        lax.fori_loop(0, CH, body, 0)

    return k(nf, src2d)


def _sc_scatter(msg, dst2d, zmat):
    mesh = plsc.VectorSubcoreMesh(core_axis_name="c", subcore_axis_name="s")

    @functools.partial(
        pl.kernel,
        mesh=mesh,
        out_type=jax.ShapeDtypeStruct((NC, N_NODES, 16), jnp.float32),
        scratch_types=[
            pltpu.VMEM((CH, CHUNK), jnp.int32),
            pltpu.VMEM((EW, 16), jnp.float32),
            pltpu.VMEM((RPT, 16), jnp.float32),
            pltpu.VMEM_SHARED((N_NODES, 16), jnp.float32),
        ],
        compiler_params=pltpu.CompilerParams(use_tc_tiling_on_sc=False),
    )
    def k(msg_hbm, dst_hbm, z_hbm, out_hbm, idx_v, msg_v, bnc, acc):
        c = lax.axis_index("c")
        s = lax.axis_index("s")
        wid = s * NC + c
        pltpu.sync_copy(z_hbm.at[pl.ds(s * RPT, RPT)], bnc)
        pltpu.sync_copy(bnc, acc.at[pl.ds(s * RPT, RPT)])
        pltpu.sync_copy(dst_hbm.at[pl.ds(wid * CH, CH)], idx_v)
        pltpu.sync_copy(msg_hbm.at[pl.ds(wid * EW, EW)], msg_v)
        plsc.subcore_barrier()

        def body(j, carry):
            pltpu.sync_copy(
                msg_v.at[pl.ds(j * CHUNK, CHUNK)], acc.at[idx_v.at[j]], add=True
            )
            return carry

        lax.fori_loop(0, CH, body, 0)
        plsc.subcore_barrier()
        pltpu.sync_copy(acc.at[pl.ds(s * RPT, RPT)], bnc)
        pltpu.sync_copy(bnc, out_hbm.at[c, pl.ds(s * RPT, RPT)])

    return k(msg, dst2d, zmat)


def _tc_dense(gathered, radial, shp, W1s, W2q, A, B):

    def body(g_ref, r_ref, sh_ref, w1_ref, w2_ref, a_ref, b_ref, o_ref):
        r = r_ref[...]
        h1 = jnp.dot(r, w1_ref[...], preferred_element_type=jnp.float32)
        h = h1 / (1.0 + jnp.exp(-h1))
        w = jnp.dot(h.astype(jnp.bfloat16), w2_ref[...],
                    preferred_element_type=jnp.float32)
        g = g_ref[...]
        cols = []
        for u in range(7):
            cols.append(jnp.sum(w[:, u * D_IN:(u + 1) * D_IN] * g, axis=1,
                                keepdims=True))
        cols.append(jnp.zeros_like(cols[0]))
        proj = jnp.concatenate(cols, axis=1)
        pe = jnp.dot(proj, a_ref[...], preferred_element_type=jnp.float32)
        se = jnp.dot(sh_ref[...], b_ref[...], preferred_element_type=jnp.float32)
        msg = pe * se
        o_ref[...] = jnp.concatenate(
            [msg[k * QB:(k + 1) * QB] for k in range(8)], axis=1)

    return pl.pallas_call(
        body,
        grid=(ES // BE,),
        in_specs=[
            pl.BlockSpec((BE, D_IN), lambda i: (i, 0)),
            pl.BlockSpec((BE, 64), lambda i: (i, 0)),
            pl.BlockSpec((BE, 9), lambda i: (i, 0)),
            pl.BlockSpec((64, 64), lambda i: (0, 0)),
            pl.BlockSpec((64, 896), lambda i: (0, 0)),
            pl.BlockSpec((8, 16), lambda i: (0, 0)),
            pl.BlockSpec((9, 16), lambda i: (0, 0)),
        ],
        out_specs=pl.BlockSpec((QB, 128), lambda i: (i, 0)),
        out_shape=jax.ShapeDtypeStruct((ES // 8, 128), jnp.float32),
    )(gathered, radial, shp, W1s, W2q, A, B)


def _tc_final(partials, nf, wselfp):

    def body(p_ref, nf_ref, ws_ref, o_ref):
        s0 = jnp.dot(nf_ref[...], ws_ref[...], preferred_element_type=jnp.float32)
        acc = s0
        for t in range(NSLICE * NC):
            acc = acc + p_ref[t]
        o_ref[...] = acc

    return pl.pallas_call(
        body,
        out_shape=jax.ShapeDtypeStruct((N_NODES, 16), jnp.float32),
    )(partials, nf, wselfp)


def kernel(node_features, edge_index, edge_sh, edge_radial, W1, W2, W_self):
    src = edge_index[0]
    dst = edge_index[1]
    eq = jnp.asarray(_EDGE_OF_SLOT, dtype=jnp.int32)

    W1s = (W1 * (1.0 / np.sqrt(64.0))).astype(jnp.bfloat16)
    w2_scale = 1.0 / (np.sqrt(64.0) * np.sqrt(float(D_IN)) * 4.0)
    W2q = (W2.reshape(64, D_IN, 7).transpose(0, 2, 1).reshape(64, 7 * D_IN)
           * w2_scale).astype(jnp.bfloat16)

    A = np.zeros((8, 16), np.float32)
    B = np.zeros((16, 16), np.float32)
    for o in range(D_OUT):
        A[_U_SEL[o], o] = 1.0
        B[_S_SEL[o], o] = 1.0
    A = jnp.asarray(A)
    B9 = jnp.asarray(B[:9]).astype(jnp.bfloat16)

    wselfp = jnp.pad(W_self, ((0, 0), (0, 16 - 4))) * (1.0 / np.sqrt(float(D_IN)))
    zmat = jnp.zeros((N_NODES, 16), jnp.float32)

    radial_bf = edge_radial.astype(jnp.bfloat16)
    sh_bf = edge_sh.astype(jnp.bfloat16)

    partials = []
    for sl in range(NSLICE):
        lo = sl * ES
        src2d = src[lo:lo + ES].reshape(ES // CHUNK, CHUNK)
        dst2d = dst[lo:lo + ES][eq].reshape(ES // CHUNK, CHUNK)
        gathered = _sc_gather(node_features, src2d)
        msg8 = _tc_dense(gathered, radial_bf[lo:lo + ES], sh_bf[lo:lo + ES],
                         W1s, W2q, A, B9)
        partials.append(_sc_scatter(msg8.reshape(ES, 16), dst2d, zmat))

    pall = jnp.concatenate(partials, axis=0)
    out16 = _tc_final(pall, node_features, wselfp)
    return out16[:, :D_OUT]

# --- scband reference (transcript-rebuilt; emitter-appended) ---
"""Pipeline reference for scband-equivariant-convolution-43439299232024 (READ-ONLY COPY).

The authoritative reference and input builder live on the scoring server;
editing this copy changes nothing except your own understanding.
"""

import jax, jax.numpy as jnp
import numpy as np

N_NODES = 10000
N_EDGES = 160000
D_IN = 128          # irreps_in = 128x0e
MULS_OUT = (4, 2, 1)  # irreps_out = 4x0e + 2x1o + 1x2e
D_OUT = 4 * 1 + 2 * 3 + 1 * 5  # = 15
RADIAL_DIM = 64
HIDDEN = 64
WEIGHT_NUMEL = D_IN * sum(MULS_OUT)  # 128*7 = 896 (FullyConnectedTensorProduct uvw paths, scalar input channels)
NUM_NEIGHBORS = 16.0


def _weight_nn(x, W1, W2):
    # e3nn FullyConnectedNet([radial_dim, 64, weight_numel], silu):
    # each layer normalized by sqrt(fan_in); activation on hidden layers only
    h = jax.nn.silu(x @ (W1 / np.sqrt(W1.shape[0])))
    return h @ (W2 / np.sqrt(W2.shape[0]))


def setup_inputs(seed: int = 0) -> dict:
    key = jax.random.key(seed)
    ks = jax.random.split(key, 7)
    node_features = jax.random.normal(ks[0], (N_NODES, D_IN), dtype=jnp.float32)
    edge_index = jax.random.randint(ks[1], (2, N_EDGES), 0, N_NODES, dtype=jnp.int32)
    edge_sh = jax.random.normal(ks[2], (N_EDGES, 9), dtype=jnp.float32)
    edge_radial = jax.random.normal(ks[3], (N_EDGES, RADIAL_DIM), dtype=jnp.float32)
    W1 = jax.random.normal(ks[4], (RADIAL_DIM, HIDDEN), dtype=jnp.float32)
    W2 = jax.random.normal(ks[5], (HIDDEN, WEIGHT_NUMEL), dtype=jnp.float32)
    W_self = jax.random.normal(ks[6], (D_IN, MULS_OUT[0]), dtype=jnp.float32)  # o3.Linear: only 0e->0e path exists
    return {"node_features": node_features, "edge_index": edge_index, "edge_sh": edge_sh,
            "edge_radial": edge_radial, "W1": W1, "W2": W2, "W_self": W_self}


def reference(node_features, edge_index, edge_sh, edge_radial, W1, W2, W_self):
    src = edge_index[0]
    dst = edge_index[1]
    E = edge_sh.shape[0]
    # gather source node features
    src_features = jnp.take(node_features, src, axis=0)  # [E, 128]
    # per-edge tensor-product weights from radial MLP
    w = _weight_nn(edge_radial, W1, W2)                  # [E, 896]
    w = w.reshape(E, D_IN, sum(MULS_OUT))                # [E, 128, 7]
    # FullyConnectedTensorProduct(128x0e, 1x0e+1x1o+1x2e -> 4x0e+2x1o+1x2e):
    # scalar input channels => each path is (weighted channel mix) * (edge SH irrep),
    # path normalization 1/sqrt(fan_in=128*1)
    proj = jnp.einsum('ei,eiu->eu', src_features, w) / np.sqrt(D_IN)  # [E, 7]
    p0 = proj[:, 0:4]
    p1 = proj[:, 4:6]
    p2 = proj[:, 6:7]
    sh0 = edge_sh[:, 0:1]
    sh1 = edge_sh[:, 1:4]
    sh2 = edge_sh[:, 4:9]
    m0 = p0 * sh0                                                # [E, 4]
    m1 = (p1[:, :, None] * sh1[:, None, :]).reshape(E, 6)        # [E, 6]
    m2 = (p2[:, :, None] * sh2[:, None, :]).reshape(E, 5)        # [E, 5]
    messages = jnp.concatenate([m0, m1, m2], axis=1)             # [E, 15]
    # scatter-add aggregation over destination nodes
    aggregated = jax.ops.segment_sum(messages, dst, num_segments=N_NODES)
    aggregated = aggregated / np.sqrt(NUM_NEIGHBORS)
    # self connection: o3.Linear(128x0e -> 4x0e+2x1o+1x2e); only scalar block nonzero
    self0 = node_features @ (W_self / np.sqrt(D_IN))             # [N, 4]
    self_out = jnp.concatenate([self0, jnp.zeros((N_NODES, D_OUT - MULS_OUT[0]), dtype=node_features.dtype)], axis=1)
    return aggregated + self_out

if __name__ == "__main__":
    import jax
    _d = setup_inputs()
    print(jax.jit(kernel)(*tuple(_d.values())))

</pallas_src>

<mosaic_0001>
#map = affine_map<(d0, d1) -> (0, 0)>
module attributes {stable_mosaic.version = 14 : i64} {
  func.func @k(%arg0: i32, %arg1: i32, %arg2: memref<10000x128xf32, #tpu.memory_space<hbm>>, %arg3: memref<1280x125xi32, #tpu.memory_space<hbm>>, %arg4: memref<160000x128xf32, #tpu.memory_space<hbm>>, %arg5: memref<40x125xi32, #tpu.memory_space<vmem>>, %arg6: memref<125x128xf32, #tpu.memory_space<vmem>>, %arg7: memref<125x128xf32, #tpu.memory_space<vmem>>, %arg8: memref<!tpu.dma_semaphore, #tpu.memory_space<semaphore_mem>>, %arg9: memref<!tpu.dma_semaphore, #tpu.memory_space<semaphore_mem>>) attributes {dimension_semantics = [#tpu.dimension_semantics<core_parallel>, #tpu.dimension_semantics<subcore_parallel>], iteration_bounds = array<i64: 2, 16>, scalar_prefetch = 0 : i64, scratch_operands = 5 : i64, tpu.core_type = #tpu.core_type<sc_vector_subcore>, window_params = [{transform_indices = #map}, {transform_indices = #map}, {transform_indices = #map}]} {
    %mul3A = arith.constant 2 : i32
    %mul3A_0 = arith.muli %arg1, %mul3A : i32
    %add3A = arith.addi %mul3A_0, %arg0 : i32
    %mul3A_1 = arith.constant 40 : i32
    %mul3A_2 = arith.muli %add3A, %mul3A_1 : i32
    "tpu.region"() ({
      %run_scoped3A = tpu.sem_alloc : memref<!tpu.dma_semaphore, #tpu.memory_space<semaphore_mem>>
      %dma_start3A_14 = arith.constant 0 : i32
      %dma_start3A_15 = tpu.memref_slice %arg3[%mul3A_2, %dma_start3A_14] : memref<1280x125xi32, #tpu.memory_space<hbm>> -> memref<40x125xi32, #tpu.memory_space<hbm>>
      %dma_start3A_16 = arith.constant 0 : i32
      %dma_start3A_17 = tpu.memref_slice %arg3[%mul3A_2, %dma_start3A_16] : memref<1280x125xi32, #tpu.memory_space<hbm>> -> memref<40x125xi32, #tpu.memory_space<hbm>>
      tpu.enqueue_dma source(%dma_start3A_17 : memref<40x125xi32, #tpu.memory_space<hbm>>) target(%arg5 : memref<40x125xi32, #tpu.memory_space<vmem>>) target_semaphore(%run_scoped3A : memref<!tpu.dma_semaphore, #tpu.memory_space<semaphore_mem>>)
      %dma_wait3A = arith.constant 0 : i32
      %dma_wait3A_18 = tpu.memref_slice %arg3[%mul3A_2, %dma_wait3A] : memref<1280x125xi32, #tpu.memory_space<hbm>> -> memref<40x125xi32, #tpu.memory_space<hbm>>
      %dma_wait3A_19 = arith.constant 0 : i32
      %dma_wait3A_20 = tpu.memref_slice %arg3[%mul3A_2, %dma_wait3A_19] : memref<1280x125xi32, #tpu.memory_space<hbm>> -> memref<40x125xi32, #tpu.memory_space<hbm>>
      tpu.wait_dma2 semaphore(%run_scoped3A : memref<!tpu.dma_semaphore, #tpu.memory_space<semaphore_mem>>) src(%dma_wait3A_20 : memref<40x125xi32, #tpu.memory_space<hbm>>) dst(%arg5 : memref<40x125xi32, #tpu.memory_space<vmem>>)
      tpu.yield
    }) : () -> ()
    %dma_start3A = arith.constant 0 : i32
    %dma_start3A_3 = arith.constant 0 : i32
    %dma_start3A_4 = tpu.memref_slice %arg5[%dma_start3A, %dma_start3A_3] : memref<40x125xi32, #tpu.memory_space<vmem>> -> memref<1x125xi32, #tpu.memory_space<vmem>>
    %dma_start3A_5 = tpu.memref_squeeze %dma_start3A_4 : memref<1x125xi32, #tpu.memory_space<vmem>> -> memref<125xi32, #tpu.memory_space<vmem>>
    %dma_start3A_6 = arith.constant 0 : i32
    %dma_start3A_7 = arith.constant 0 : i32
    %dma_start3A_8 = tpu.memref_slice %arg2[%dma_start3A_6, %dma_start3A_7] : memref<10000x128xf32, #tpu.memory_space<hbm>> -> memref<10000x128xf32, #tpu.memory_space<hbm>>
    tpu.enqueue_indirect_dma source(%dma_start3A_8 : memref<10000x128xf32, #tpu.memory_space<hbm>>) target(%arg6 : memref<125x128xf32, #tpu.memory_space<vmem>>) offsets(%dma_start3A_5 : memref<125xi32, #tpu.memory_space<vmem>>) semaphore(%arg8 : memref<!tpu.dma_semaphore, #tpu.memory_space<semaphore_mem>>)
    %scan3A = arith.constant 0 : i32
    %scan3A_9 = arith.constant 0 : i32
    %scan3A_10 = arith.constant 40 : i32
    %scan3A_11 = arith.addi %scan3A_9, %scan3A_10 : i32
    %scan3A_12 = arith.constant 1 : i32
    scf.for %scan3A_14 = %scan3A_9 to %scan3A_11 step %scan3A_12  : i32 {
      %rem3A = arith.constant 2 : i32
      %rem3A_15 = arith.remsi %scan3A_14, %rem3A : i32
      %eq3A = arith.constant 0 : i32
      %eq3A_16 = arith.cmpi eq, %rem3A_15, %eq3A : i32
      %convert_element_type3A = arith.extui %eq3A_16 : i1 to i32
      %cond3A = arith.constant 0 : i32
      %cond3A_17 = arith.cmpi ne, %convert_element_type3A, %cond3A : i32
      scf.if %cond3A_17 {
        %add3A_23 = arith.constant 1 : i32
        %add3A_24 = arith.addi %scan3A_14, %add3A_23 : i32
        %lt3A = arith.constant 40 : i32
        %lt3A_25 = arith.cmpi slt, %add3A_24, %lt3A : i32
        %convert_element_type3A_26 = arith.extui %lt3A_25 : i1 to i32
        %cond3A_27 = arith.constant 0 : i32
        %cond3A_28 = arith.cmpi ne, %convert_element_type3A_26, %cond3A_27 : i32
        scf.if %cond3A_28 {
          %add3A_39 = arith.constant 1 : i32
          %add3A_40 = arith.addi %scan3A_14, %add3A_39 : i32
          %dma_start3A_41 = arith.constant 0 : i32
          %dma_start3A_42 = tpu.memref_slice %arg5[%add3A_40, %dma_start3A_41] : memref<40x125xi32, #tpu.memory_space<vmem>> -> memref<1x125xi32, #tpu.memory_space<vmem>>
          %dma_start3A_43 = tpu.memref_squeeze %dma_start3A_42 : memref<1x125xi32, #tpu.memory_space<vmem>> -> memref<125xi32, #tpu.memory_space<vmem>>
          %dma_start3A_44 = arith.constant 0 : i32
          %dma_start3A_45 = arith.constant 0 : i32
          %dma_start3A_46 = tpu.memref_slice %arg2[%dma_start3A_44, %dma_start3A_45] : memref<10000x128xf32, #tpu.memory_space<hbm>> -> memref<10000x128xf32, #tpu.memory_space<hbm>>
          tpu.enqueue_indirect_dma source(%dma_start3A_46 : memref<10000x128xf32, #tpu.memory_space<hbm>>) target(%arg7 : memref<125x128xf32, #tpu.memory_space<vmem>>) offsets(%dma_start3A_43 : memref<125xi32, #tpu.memory_space<vmem>>) semaphore(%arg9 : memref<!tpu.dma_semaphore, #tpu.memory_space<semaphore_mem>>)
        } else {
        }
        %dma_wait3A = arith.constant 0 : i32
        %dma_wait3A_29 = tpu.memref_slice %arg5[%scan3A_14, %dma_wait3A] : memref<40x125xi32, #tpu.memory_space<vmem>> -> memref<1x125xi32, #tpu.memory_space<vmem>>
        %dma_wait3A_30 = tpu.memref_squeeze %dma_wait3A_29 : memref<1x125xi32, #tpu.memory_space<vmem>> -> memref<125xi32, #tpu.memory_space<vmem>>
        %dma_wait3A_31 = arith.constant 0 : i32
        %dma_wait3A_32 = arith.constant 0 : i32
        %dma_wait3A_33 = tpu.memref_slice %arg2[%dma_wait3A_31, %dma_wait3A_32] : memref<10000x128xf32, #tpu.memory_space<hbm>> -> memref<10000x128xf32, #tpu.memory_space<hbm>>
        tpu.wait_indirect_dma semaphore(%arg8 : memref<!tpu.dma_semaphore, #tpu.memory_space<semaphore_mem>>) src(%dma_wait3A_33 : memref<10000x128xf32, #tpu.memory_space<hbm>>) dst(%arg6 : memref<125x128xf32, #tpu.memory_space<vmem>>)
        %mul3A_34 = arith.constant 5000 : i32
        %mul3A_35 = arith.muli %add3A, %mul3A_34 : i32
        %mul3A_36 = arith.constant 125 : i32
        %mul3A_37 = arith.muli %scan3A_14, %mul3A_36 : i32
        %add3A_38 = arith.addi %mul3A_35, %mul3A_37 : i32
        "tpu.region"() ({
          %run_scoped3A = tpu.sem_alloc : memref<!tpu.dma_semaphore, #tpu.memory_space<semaphore_mem>>
          %dma_start3A_39 = arith.constant 0 : i32
          %dma_start3A_40 = tpu.memref_slice %arg4[%add3A_38, %dma_start3A_39] : memref<160000x128xf32, #tpu.memory_space<hbm>> -> memref<125x128xf32, #tpu.memory_space<hbm>>
          %dma_start3A_41 = arith.constant 0 : i32
          %dma_start3A_42 = tpu.memref_slice %arg4[%add3A_38, %dma_start3A_41] : memref<160000x128xf32, #tpu.memory_space<hbm>> -> memref<125x128xf32, #tpu.memory_space<hbm>>
          tpu.enqueue_dma source(%arg6 : memref<125x128xf32, #tpu.memory_space<vmem>>) target(%dma_start3A_42 : memref<125x128xf32, #tpu.memory_space<hbm>>) target_semaphore(%run_scoped3A : memref<!tpu.dma_semaphore, #tpu.memory_space<semaphore_mem>>)
          %dma_wait3A_43 = arith.constant 0 : i32
          %dma_wait3A_44 = tpu.memref_slice %arg4[%add3A_38, %dma_wait3A_43] : memref<160000x128xf32, #tpu.memory_space<hbm>> -> memref<125x128xf32, #tpu.memory_space<hbm>>
          %dma_wait3A_45 = arith.constant 0 : i32
          %dma_wait3A_46 = tpu.memref_slice %arg4[%add3A_38, %dma_wait3A_45] : memref<160000x128xf32, #tpu.memory_space<hbm>> -> memref<125x128xf32, #tpu.memory_space<hbm>>
          tpu.wait_dma2 semaphore(%run_scoped3A : memref<!tpu.dma_semaphore, #tpu.memory_space<semaphore_mem>>) src(%arg6 : memref<125x128xf32, #tpu.memory_space<vmem>>) dst(%dma_wait3A_46 : memref<125x128xf32, #tpu.memory_space<hbm>>)
          tpu.yield
        }) : () -> ()
      } else {
      }
      %eq3A_18 = arith.constant 1 : i32
      %eq3A_19 = arith.cmpi eq, %rem3A_15, %eq3A_18 : i32
      %convert_element_type3A_20 = arith.extui %eq3A_19 : i1 to i32
      %cond3A_21 = arith.constant 0 : i32
      %cond3A_22 = arith.cmpi ne, %convert_element_type3A_20, %cond3A_21 : i32
      scf.if %cond3A_22 {
        %add3A_23 = arith.constant 1 : i32
        %add3A_24 = arith.addi %scan3A_14, %add3A_23 : i32
        %lt3A = arith.constant 40 : i32
        %lt3A_25 = arith.cmpi slt, %add3A_24, %lt3A : i32
        %convert_element_type3A_26 = arith.extui %lt3A_25 : i1 to i32
        %cond3A_27 = arith.constant 0 : i32
        %cond3A_28 = arith.cmpi ne, %convert_element_type3A_26, %cond3A_27 : i32
        scf.if %cond3A_28 {
          %add3A_39 = arith.constant 1 : i32
          %add3A_40 = arith.addi %scan3A_14, %add3A_39 : i32
          %dma_start3A_41 = arith.constant 0 : i32
          %dma_start3A_42 = tpu.memref_slice %arg5[%add3A_40, %dma_start3A_41] : memref<40x125xi32, #tpu.memory_space<vmem>> -> memref<1x125xi32, #tpu.memory_space<vmem>>
          %dma_start3A_43 = tpu.memref_squeeze %dma_start3A_42 : memref<1x125xi32, #tpu.memory_space<vmem>> -> memref<125xi32, #tpu.memory_space<vmem>>
          %dma_start3A_44 = arith.constant 0 : i32
          %dma_start3A_45 = arith.constant 0 : i32
          %dma_start3A_46 = tpu.memref_slice %arg2[%dma_start3A_44, %dma_start3A_45] : memref<10000x128xf32, #tpu.memory_space<hbm>> -> memref<10000x128xf32, #tpu.memory_space<hbm>>
          tpu.enqueue_indirect_dma source(%dma_start3A_46 : memref<10000x128xf32, #tpu.memory_space<hbm>>) target(%arg6 : memref<125x128xf32, #tpu.memory_space<vmem>>) offsets(%dma_start3A_43 : memref<125xi32, #tpu.memory_space<vmem>>) semaphore(%arg8 : memref<!tpu.dma_semaphore, #tpu.memory_space<semaphore_mem>>)
        } else {
        }
        %dma_wait3A = arith.constant 0 : i32
        %dma_wait3A_29 = tpu.memref_slice %arg5[%scan3A_14, %dma_wait3A] : memref<40x125xi32, #tpu.memory_space<vmem>> -> memref<1x125xi32, #tpu.memory_space<vmem>>
        %dma_wait3A_30 = tpu.memref_squeeze %dma_wait3A_29 : memref<1x125xi32, #tpu.memory_space<vmem>> -> memref<125xi32, #tpu.memory_space<vmem>>
        %dma_wait3A_31 = arith.constant 0 : i32
        %dma_wait3A_32 = arith.constant 0 : i32
        %dma_wait3A_33 = tpu.memref_slice %arg2[%dma_wait3A_31, %dma_wait3A_32] : memref<10000x128xf32, #tpu.memory_space<hbm>> -> memref<10000x128xf32, #tpu.memory_space<hbm>>
        tpu.wait_indirect_dma semaphore(%arg9 : memref<!tpu.dma_semaphore, #tpu.memory_space<semaphore_mem>>) src(%dma_wait3A_33 : memref<10000x128xf32, #tpu.memory_space<hbm>>) dst(%arg7 : memref<125x128xf32, #tpu.memory_space<vmem>>)
        %mul3A_34 = arith.constant 5000 : i32
        %mul3A_35 = arith.muli %add3A, %mul3A_34 : i32
        %mul3A_36 = arith.constant 125 : i32
        %mul3A_37 = arith.muli %scan3A_14, %mul3A_36 : i32
        %add3A_38 = arith.addi %mul3A_35, %mul3A_37 : i32
        "tpu.region"() ({
          %run_scoped3A = tpu.sem_alloc : memref<!tpu.dma_semaphore, #tpu.memory_space<semaphore_mem>>
          %dma_start3A_39 = arith.constant 0 : i32
          %dma_start3A_40 = tpu.memref_slice %arg4[%add3A_38, %dma_start3A_39] : memref<160000x128xf32, #tpu.memory_space<hbm>> -> memref<125x128xf32, #tpu.memory_space<hbm>>
          %dma_start3A_41 = arith.constant 0 : i32
          %dma_start3A_42 = tpu.memref_slice %arg4[%add3A_38, %dma_start3A_41] : memref<160000x128xf32, #tpu.memory_space<hbm>> -> memref<125x128xf32, #tpu.memory_space<hbm>>
          tpu.enqueue_dma source(%arg7 : memref<125x128xf32, #tpu.memory_space<vmem>>) target(%dma_start3A_42 : memref<125x128xf32, #tpu.memory_space<hbm>>) target_semaphore(%run_scoped3A : memref<!tpu.dma_semaphore, #tpu.memory_space<semaphore_mem>>)
          %dma_wait3A_43 = arith.constant 0 : i32
          %dma_wait3A_44 = tpu.memref_slice %arg4[%add3A_38, %dma_wait3A_43] : memref<160000x128xf32, #tpu.memory_space<hbm>> -> memref<125x128xf32, #tpu.memory_space<hbm>>
          %dma_wait3A_45 = arith.constant 0 : i32
          %dma_wait3A_46 = tpu.memref_slice %arg4[%add3A_38, %dma_wait3A_45] : memref<160000x128xf32, #tpu.memory_space<hbm>> -> memref<125x128xf32, #tpu.memory_space<hbm>>
          tpu.wait_dma2 semaphore(%run_scoped3A : memref<!tpu.dma_semaphore, #tpu.memory_space<semaphore_mem>>) src(%arg7 : memref<125x128xf32, #tpu.memory_space<vmem>>) dst(%dma_wait3A_46 : memref<125x128xf32, #tpu.memory_space<hbm>>)
          tpu.yield
        }) : () -> ()
      } else {
      }
    }
    %scan3A_13 = arith.constant 40 : i32
    return
  }
}

#map = affine_map<(d0, d1) -> (0, 0)>
#map1 = affine_map<(d0, d1) -> (0, 0, 0)>
module attributes {stable_mosaic.version = 14 : i64} {
  func.func @k(%arg0: i32, %arg1: i32, %arg2: memref<160000x16xf32, #tpu.memory_space<hbm>>, %arg3: memref<1280x125xi32, #tpu.memory_space<hbm>>, %arg4: memref<10000x16xf32, #tpu.memory_space<hbm>>, %arg5: memref<2x10000x16xf32, #tpu.memory_space<hbm>>, %arg6: memref<40x125xi32, #tpu.memory_space<vmem>>, %arg7: memref<5000x16xf32, #tpu.memory_space<vmem>>, %arg8: memref<625x16xf32, #tpu.memory_space<vmem>>, %arg9: memref<10000x16xf32, #tpu.memory_space<vmem_shared>>) attributes {dimension_semantics = [#tpu.dimension_semantics<core_parallel>, #tpu.dimension_semantics<subcore_parallel>], iteration_bounds = array<i64: 2, 16>, scalar_prefetch = 0 : i64, scratch_operands = 4 : i64, tpu.core_type = #tpu.core_type<sc_vector_subcore>, window_params = [{transform_indices = #map}, {transform_indices = #map}, {transform_indices = #map}, {transform_indices = #map1}]} {
    %mul3A = arith.constant 2 : i32
    %mul3A_0 = arith.muli %arg1, %mul3A : i32
    %add3A = arith.addi %mul3A_0, %arg0 : i32
    %mul3A_1 = arith.constant 625 : i32
    %mul3A_2 = arith.muli %arg1, %mul3A_1 : i32
    "tpu.region"() ({
      %run_scoped3A = tpu.sem_alloc : memref<!tpu.dma_semaphore, #tpu.memory_space<semaphore_mem>>
      %dma_start3A = arith.constant 0 : i32
      %dma_start3A_19 = tpu.memref_slice %arg4[%mul3A_2, %dma_start3A] : memref<10000x16xf32, #tpu.memory_space<hbm>> -> memref<625x16xf32, #tpu.memory_space<hbm>>
      %dma_start3A_20 = arith.constant 0 : i32
      %dma_start3A_21 = tpu.memref_slice %arg4[%mul3A_2, %dma_start3A_20] : memref<10000x16xf32, #tpu.memory_space<hbm>> -> memref<625x16xf32, #tpu.memory_space<hbm>>
      tpu.enqueue_dma source(%dma_start3A_21 : memref<625x16xf32, #tpu.memory_space<hbm>>) target(%arg8 : memref<625x16xf32, #tpu.memory_space<vmem>>) target_semaphore(%run_scoped3A : memref<!tpu.dma_semaphore, #tpu.memory_space<semaphore_mem>>)
      %dma_wait3A = arith.constant 0 : i32
      %dma_wait3A_22 = tpu.memref_slice %arg4[%mul3A_2, %dma_wait3A] : memref<10000x16xf32, #tpu.memory_space<hbm>> -> memref<625x16xf32, #tpu.memory_space<hbm>>
      %dma_wait3A_23 = arith.constant 0 : i32
      %dma_wait3A_24 = tpu.memref_slice %arg4[%mul3A_2, %dma_wait3A_23] : memref<10000x16xf32, #tpu.memory_space<hbm>> -> memref<625x16xf32, #tpu.memory_space<hbm>>
      tpu.wait_dma2 semaphore(%run_scoped3A : memref<!tpu.dma_semaphore, #tpu.memory_space<semaphore_mem>>) src(%dma_wait3A_24 : memref<625x16xf32, #tpu.memory_space<hbm>>) dst(%arg8 : memref<625x16xf32, #tpu.memory_space<vmem>>)
      tpu.yield
    }) : () -> ()
    %mul3A_3 = arith.constant 625 : i32
    %mul3A_4 = arith.muli %arg1, %mul3A_3 : i32
    "tpu.region"() ({
      %run_scoped3A = tpu.sem_alloc : memref<!tpu.dma_semaphore, #tpu.memory_space<semaphore_mem>>
      %dma_start3A = arith.constant 0 : i32
      %dma_start3A_19 = tpu.memref_slice %arg9[%mul3A_4, %dma_start3A] : memref<10000x16xf32, #tpu.memory_space<vmem_shared>> -> memref<625x16xf32, #tpu.memory_space<vmem_shared>>
      %dma_start3A_20 = arith.constant 0 : i32
      %dma_start3A_21 = tpu.memref_slice %arg9[%mul3A_4, %dma_start3A_20] : memref<10000x16xf32, #tpu.memory_space<vmem_shared>> -> memref<625x16xf32, #tpu.memory_space<vmem_shared>>
      tpu.enqueue_dma source(%arg8 : memref<625x16xf32, #tpu.memory_space<vmem>>) target(%dma_start3A_21 : memref<625x16xf32, #tpu.memory_space<vmem_shared>>) target_semaphore(%run_scoped3A : memref<!tpu.dma_semaphore, #tpu.memory_space<semaphore_mem>>)
      %dma_wait3A = arith.constant 0 : i32
      %dma_wait3A_22 = tpu.memref_slice %arg9[%mul3A_4, %dma_wait3A] : memref<10000x16xf32, #tpu.memory_space<vmem_shared>> -> memref<625x16xf32, #tpu.memory_space<vmem_shared>>
      %dma_wait3A_23 = arith.constant 0 : i32
      %dma_wait3A_24 = tpu.memref_slice %arg9[%mul3A_4, %dma_wait3A_23] : memref<10000x16xf32, #tpu.memory_space<vmem_shared>> -> memref<625x16xf32, #tpu.memory_space<vmem_shared>>
      tpu.wait_dma2 semaphore(%run_scoped3A : memref<!tpu.dma_semaphore, #tpu.memory_space<semaphore_mem>>) src(%arg8 : memref<625x16xf32, #tpu.memory_space<vmem>>) dst(%dma_wait3A_24 : memref<625x16xf32, #tpu.memory_space<vmem_shared>>)
      tpu.yield
    }) : () -> ()
    %mul3A_5 = arith.constant 40 : i32
    %mul3A_6 = arith.muli %add3A, %mul3A_5 : i32
    "tpu.region"() ({
      %run_scoped3A = tpu.sem_alloc : memref<!tpu.dma_semaphore, #tpu.memory_space<semaphore_mem>>
      %dma_start3A = arith.constant 0 : i32
      %dma_start3A_19 = tpu.memref_slice %arg3[%mul3A_6, %dma_start3A] : memref<1280x125xi32, #tpu.memory_space<hbm>> -> memref<40x125xi32, #tpu.memory_space<hbm>>
      %dma_start3A_20 = arith.constant 0 : i32
      %dma_start3A_21 = tpu.memref_slice %arg3[%mul3A_6, %dma_start3A_20] : memref<1280x125xi32, #tpu.memory_space<hbm>> -> memref<40x125xi32, #tpu.memory_space<hbm>>
      tpu.enqueue_dma source(%dma_start3A_21 : memref<40x125xi32, #tpu.memory_space<hbm>>) target(%arg6 : memref<40x125xi32, #tpu.memory_space<vmem>>) target_semaphore(%run_scoped3A : memref<!tpu.dma_semaphore, #tpu.memory_space<semaphore_mem>>)
      %dma_wait3A = arith.constant 0 : i32
      %dma_wait3A_22 = tpu.memref_slice %arg3[%mul3A_6, %dma_wait3A] : memref<1280x125xi32, #tpu.memory_space<hbm>> -> memref<40x125xi32, #tpu.memory_space<hbm>>
      %dma_wait3A_23 = arith.constant 0 : i32
      %dma_wait3A_24 = tpu.memref_slice %arg3[%mul3A_6, %dma_wait3A_23] : memref<1280x125xi32, #tpu.memory_space<hbm>> -> memref<40x125xi32, #tpu.memory_space<hbm>>
      tpu.wait_dma2 semaphore(%run_scoped3A : memref<!tpu.dma_semaphore, #tpu.memory_space<semaphore_mem>>) src(%dma_wait3A_24 : memref<40x125xi32, #tpu.memory_space<hbm>>) dst(%arg6 : memref<40x125xi32, #tpu.memory_space<vmem>>)
      tpu.yield
    }) : () -> ()
    %mul3A_7 = arith.constant 5000 : i32
    %mul3A_8 = arith.muli %add3A, %mul3A_7 : i32
    "tpu.region"() ({
      %run_scoped3A = tpu.sem_alloc : memref<!tpu.dma_semaphore, #tpu.memory_space<semaphore_mem>>
      %dma_start3A = arith.constant 0 : i32
      %dma_start3A_19 = tpu.memref_slice %arg2[%mul3A_8, %dma_start3A] : memref<160000x16xf32, #tpu.memory_space<hbm>> -> memref<5000x16xf32, #tpu.memory_space<hbm>>
      %dma_start3A_20 = arith.constant 0 : i32
      %dma_start3A_21 = tpu.memref_slice %arg2[%mul3A_8, %dma_start3A_20] : memref<160000x16xf32, #tpu.memory_space<hbm>> -> memref<5000x16xf32, #tpu.memory_space<hbm>>
      tpu.enqueue_dma source(%dma_start3A_21 : memref<5000x16xf32, #tpu.memory_space<hbm>>) target(%arg7 : memref<5000x16xf32, #tpu.memory_space<vmem>>) target_semaphore(%run_scoped3A : memref<!tpu.dma_semaphore, #tpu.memory_space<semaphore_mem>>)
      %dma_wait3A = arith.constant 0 : i32
      %dma_wait3A_22 = tpu.memref_slice %arg2[%mul3A_8, %dma_wait3A] : memref<160000x16xf32, #tpu.memory_space<hbm>> -> memref<5000x16xf32, #tpu.memory_space<hbm>>
      %dma_wait3A_23 = arith.constant 0 : i32
      %dma_wait3A_24 = tpu.memref_slice %arg2[%mul3A_8, %dma_wait3A_23] : memref<160000x16xf32, #tpu.memory_space<hbm>> -> memref<5000x16xf32, #tpu.memory_space<hbm>>
      tpu.wait_dma2 semaphore(%run_scoped3A : memref<!tpu.dma_semaphore, #tpu.memory_space<semaphore_mem>>) src(%dma_wait3A_24 : memref<5000x16xf32, #tpu.memory_space<hbm>>) dst(%arg7 : memref<5000x16xf32, #tpu.memory_space<vmem>>)
      tpu.yield
    }) : () -> ()
    %barrier3A = arith.constant 0 : index
    tpu.barrier barrier_id(%barrier3A)
    %scan3A = arith.constant 0 : i32
    %scan3A_9 = arith.constant 0 : i32
    %scan3A_10 = arith.constant 40 : i32
    %scan3A_11 = arith.addi %scan3A_9, %scan3A_10 : i32
    %scan3A_12 = arith.constant 1 : i32
    scf.for %scan3A_19 = %scan3A_9 to %scan3A_11 step %scan3A_12  : i32 {
      %mul3A_20 = arith.constant 125 : i32
      %mul3A_21 = arith.muli %scan3A_19, %mul3A_20 : i32
      "tpu.region"() ({
        %run_scoped3A = tpu.sem_alloc : memref<!tpu.dma_semaphore, #tpu.memory_space<semaphore_mem>>
        %dma_start3A = arith.constant 0 : i32
        %dma_start3A_22 = tpu.memref_slice %arg7[%mul3A_21, %dma_start3A] : memref<5000x16xf32, #tpu.memory_space<vmem>> -> memref<125x16xf32, #tpu.memory_space<vmem>>
        %dma_start3A_23 = arith.constant 0 : i32
        %dma_start3A_24 = tpu.memref_slice %arg6[%scan3A_19, %dma_start3A_23] : memref<40x125xi32, #tpu.memory_space<vmem>> -> memref<1x125xi32, #tpu.memory_space<vmem>>
        %dma_start3A_25 = tpu.memref_squeeze %dma_start3A_24 : memref<1x125xi32, #tpu.memory_space<vmem>> -> memref<125xi32, #tpu.memory_space<vmem>>
        %dma_start3A_26 = arith.constant 0 : i32
        %dma_start3A_27 = arith.constant 0 : i32
        %dma_start3A_28 = tpu.memref_slice %arg9[%dma_start3A_26, %dma_start3A_27] : memref<10000x16xf32, #tpu.memory_space<vmem_shared>> -> memref<10000x16xf32, #tpu.memory_space<vmem_shared>>
        tpu.enqueue_indirect_dma source(%dma_start3A_22 : memref<125x16xf32, #tpu.memory_space<vmem>>) target(%dma_start3A_28 : memref<10000x16xf32, #tpu.memory_space<vmem_shared>>) offsets(%dma_start3A_25 : memref<125xi32, #tpu.memory_space<vmem>>) semaphore(%run_scoped3A : memref<!tpu.dma_semaphore, #tpu.memory_space<semaphore_mem>>) {add = true}
        %dma_wait3A = arith.constant 0 : i32
        %dma_wait3A_29 = tpu.memref_slice %arg7[%mul3A_21, %dma_wait3A] : memref<5000x16xf32, #tpu.memory_space<vmem>> -> memref<125x16xf32, #tpu.memory_space<vmem>>
        %dma_wait3A_30 = arith.constant 0 : i32
        %dma_wait3A_31 = tpu.memref_slice %arg6[%scan3A_19, %dma_wait3A_30] : memref<40x125xi32, #tpu.memory_space<vmem>> -> memref<1x125xi32, #tpu.memory_space<vmem>>
        %dma_wait3A_32 = tpu.memref_squeeze %dma_wait3A_31 : memref<1x125xi32, #tpu.memory_space<vmem>> -> memref<125xi32, #tpu.memory_space<vmem>>
        %dma_wait3A_33 = arith.constant 0 : i32
        %dma_wait3A_34 = arith.constant 0 : i32
        %dma_wait3A_35 = tpu.memref_slice %arg9[%dma_wait3A_33, %dma_wait3A_34] : memref<10000x16xf32, #tpu.memory_space<vmem_shared>> -> memref<10000x16xf32, #tpu.memory_space<vmem_shared>>
        tpu.wait_indirect_dma semaphore(%run_scoped3A : memref<!tpu.dma_semaphore, #tpu.memory_space<semaphore_mem>>) src(%dma_wait3A_29 : memref<125x16xf32, #tpu.memory_space<vmem>>) dst(%dma_wait3A_35 : memref<10000x16xf32, #tpu.memory_space<vmem_shared>>)
        tpu.yield
      }) : () -> ()
    }
    %scan3A_13 = arith.constant 40 : i32
    %barrier3A_14 = arith.constant 0 : index
    tpu.barrier barrier_id(%barrier3A_14)
    %mul3A_15 = arith.constant 625 : i32
    %mul3A_16 = arith.muli %arg1, %mul3A_15 : i32
    "tpu.region"() ({
      %run_scoped3A = tpu.sem_alloc : memref<!tpu.dma_semaphore, #tpu.memory_space<semaphore_mem>>
      %dma_start3A = arith.constant 0 : i32
      %dma_start3A_19 = tpu.memref_slice %arg9[%mul3A_16, %dma_start3A] : memref<10000x16xf32, #tpu.memory_space<vmem_shared>> -> memref<625x16xf32, #tpu.memory_space<vmem_shared>>
      %dma_start3A_20 = arith.constant 0 : i32
      %dma_start3A_21 = tpu.memref_slice %arg9[%mul3A_16, %dma_start3A_20] : memref<10000x16xf32, #tpu.memory_space<vmem_shared>> -> memref<625x16xf32, #tpu.memory_space<vmem_shared>>
      tpu.enqueue_dma source(%dma_start3A_21 : memref<625x16xf32, #tpu.memory_space<vmem_shared>>) target(%arg8 : memref<625x16xf32, #tpu.memory_space<vmem>>) target_semaphore(%run_scoped3A : memref<!tpu.dma_semaphore, #tpu.memory_space<semaphore_mem>>)
      %dma_wait3A = arith.constant 0 : i32
      %dma_wait3A_22 = tpu.memref_slice %arg9[%mul3A_16, %dma_wait3A] : memref<10000x16xf32, #tpu.memory_space<vmem_shared>> -> memref<625x16xf32, #tpu.memory_space<vmem_shared>>
      %dma_wait3A_23 = arith.constant 0 : i32
      %dma_wait3A_24 = tpu.memref_slice %arg9[%mul3A_16, %dma_wait3A_23] : memref<10000x16xf32, #tpu.memory_space<vmem_shared>> -> memref<625x16xf32, #tpu.memory_space<vmem_shared>>
      tpu.wait_dma2 semaphore(%run_scoped3A : memref<!tpu.dma_semaphore, #tpu.memory_space<semaphore_mem>>) src(%dma_wait3A_24 : memref<625x16xf32, #tpu.memory_space<vmem_shared>>) dst(%arg8 : memref<625x16xf32, #tpu.memory_space<vmem>>)
      tpu.yield
    }) : () -> ()
    %mul3A_17 = arith.constant 625 : i32
    %mul3A_18 = arith.muli %arg1, %mul3A_17 : i32
    "tpu.region"() ({
      %run_scoped3A = tpu.sem_alloc : memref<!tpu.dma_semaphore, #tpu.memory_space<semaphore_mem>>
      %dma_start3A = arith.constant 0 : i32
      %dma_start3A_19 = tpu.memref_slice %arg5[%arg0, %mul3A_18, %dma_start3A] : memref<2x10000x16xf32, #tpu.memory_space<hbm>> -> memref<1x625x16xf32, #tpu.memory_space<hbm>>
      %dma_start3A_20 = tpu.memref_squeeze %dma_start3A_19 : memref<1x625x16xf32, #tpu.memory_space<hbm>> -> memref<625x16xf32, #tpu.memory_space<hbm>>
      %dma_start3A_21 = arith.constant 0 : i32
      %dma_start3A_22 = tpu.memref_slice %arg5[%arg0, %mul3A_18, %dma_start3A_21] : memref<2x10000x16xf32, #tpu.memory_space<hbm>> -> memref<1x625x16xf32, #tpu.memory_space<hbm>>
      %dma_start3A_23 = tpu.memref_squeeze %dma_start3A_22 : memref<1x625x16xf32, #tpu.memory_space<hbm>> -> memref<625x16xf32, #tpu.memory_space<hbm>>
      tpu.enqueue_dma source(%arg8 : memref<625x16xf32, #tpu.memory_space<vmem>>) target(%dma_start3A_23 : memref<625x16xf32, #tpu.memory_space<hbm>>) target_semaphore(%run_scoped3A : memref<!tpu.dma_semaphore, #tpu.memory_space<semaphore_mem>>)
      %dma_wait3A = arith.constant 0 : i32
      %dma_wait3A_24 = tpu.memref_slice %arg5[%arg0, %mul3A_18, %dma_wait3A] : memref<2x10000x16xf32, #tpu.memory_space<hbm>> -> memref<1x625x16xf32, #tpu.memory_space<hbm>>
      %dma_wait3A_25 = tpu.memref_squeeze %dma_wait3A_24 : memref<1x625x16xf32, #tpu.memory_space<hbm>> -> memref<625x16xf32, #tpu.memory_space<hbm>>
      %dma_wait3A_26 = arith.constant 0 : i32
      %dma_wait3A_27 = tpu.memref_slice %arg5[%arg0, %mul3A_18, %dma_wait3A_26] : memref<2x10000x16xf32, #tpu.memory_space<hbm>> -> memref<1x625x16xf32, #tpu.memory_space<hbm>>
      %dma_wait3A_28 = tpu.memref_squeeze %dma_wait3A_27 : memref<1x625x16xf32, #tpu.memory_space<hbm>> -> memref<625x16xf32, #tpu.memory_space<hbm>>
      tpu.wait_dma2 semaphore(%run_scoped3A : memref<!tpu.dma_semaphore, #tpu.memory_space<semaphore_mem>>) src(%arg8 : memref<625x16xf32, #tpu.memory_space<vmem>>) dst(%dma_wait3A_28 : memref<625x16xf32, #tpu.memory_space<hbm>>)
      tpu.yield
    }) : () -> ()
    return
  }
}

module attributes {stable_mosaic.version = 14 : i64} {
  func.func @body(%arg0: i32, %arg1: memref<8000x128xf32, #tpu.memory_space<vmem>>, %arg2: memref<8000x64xbf16, #tpu.memory_space<vmem>>, %arg3: memref<8000x9xbf16, #tpu.memory_space<vmem>>, %arg4: memref<64x64xbf16, #tpu.memory_space<vmem>>, %arg5: memref<64x896xbf16, #tpu.memory_space<vmem>>, %arg6: memref<8x16xf32, #tpu.memory_space<vmem>>, %arg7: memref<9x16xbf16, #tpu.memory_space<vmem>>, %arg8: memref<1000x128xf32, #tpu.memory_space<vmem>>) attributes {dimension_semantics = [#tpu.dimension_semantics<arbitrary>], iteration_bounds = array<i64: 20>, scalar_prefetch = 0 : i64, scratch_operands = 0 : i64, tpu.core_type = #tpu.core_type<tc>, window_params = [{transform_indices = @transform_0, window_bounds = array<i64: 8000, 128>}, {transform_indices = @transform_1, window_bounds = array<i64: 8000, 64>}, {transform_indices = @transform_2, window_bounds = array<i64: 8000, 9>}, {pipeline_mode = #tpu.pipeline_mode<synchronous>, transform_indices = @transform_3, window_bounds = array<i64: 64, 64>}, {pipeline_mode = #tpu.pipeline_mode<synchronous>, transform_indices = @transform_4, window_bounds = array<i64: 64, 896>}, {pipeline_mode = #tpu.pipeline_mode<synchronous>, transform_indices = @transform_5, window_bounds = array<i64: 8, 16>}, {pipeline_mode = #tpu.pipeline_mode<synchronous>, transform_indices = @transform_6, window_bounds = array<i64: 9, 16>}, {transform_indices = @transform_7, window_bounds = array<i64: 1000, 128>}]} {
    %get3A = arith.constant 0 : index
    %get3A_0 = arith.constant 0 : index
    %get3A_1 = vector.load %arg2[%get3A, %get3A_0] : memref<8000x64xbf16, #tpu.memory_space<vmem>>, vector<8000x64xbf16>
    %get3A_2 = arith.constant 0 : index
    %get3A_3 = arith.constant 0 : index
    %get3A_4 = vector.load %arg4[%get3A_2, %get3A_3] : memref<64x64xbf16, #tpu.memory_space<vmem>>, vector<64x64xbf16>
    %dot_general3A = arith.constant dense<0.000000e+00> : vector<8000x64xf32>
    %dot_general3A_5 = tpu.matmul %get3A_1, %get3A_4, %dot_general3A {dimension_numbers = #tpu.dot_dimension_numbers<[1], [0], [0], [1], [0, 0, 1, 1], [], []>, transpose_lhs_hint = false} : vector<8000x64xbf16>, vector<64x64xbf16>, vector<8000x64xf32> -> vector<8000x64xf32>
    %neg3A = arith.constant 0.000000e+00 : f32
    %neg3A_6 = vector.broadcast %neg3A : f32 to vector<8000x64xf32>
    %neg3A_7 = arith.subf %neg3A_6, %dot_general3A_5 : vector<8000x64xf32>
    %exp3A = math.exp %neg3A_7 : vector<8000x64xf32>
    %add3A = arith.constant 1.000000e+00 : f32
    %add3A_8 = vector.broadcast %add3A : f32 to vector<8000x64xf32>
    %add3A_9 = arith.addf %add3A_8, %exp3A : vector<8000x64xf32>
    %div3A = arith.divf %dot_general3A_5, %add3A_9 : vector<8000x64xf32>
    %convert_element_type3A = arith.truncf %div3A : vector<8000x64xf32> to vector<8000x64xbf16>
    %get3A_10 = arith.constant 0 : index
    %get3A_11 = arith.constant 0 : index
    %get3A_12 = vector.load %arg5[%get3A_10, %get3A_11] : memref<64x896xbf16, #tpu.memory_space<vmem>>, vector<64x896xbf16>
    %dot_general3A_13 = arith.constant dense<0.000000e+00> : vector<8000x896xf32>
    %dot_general3A_14 = tpu.matmul %convert_element_type3A, %get3A_12, %dot_general3A_13 {dimension_numbers = #tpu.dot_dimension_numbers<[1], [0], [0], [1], [0, 0, 1, 1], [], []>, transpose_lhs_hint = false} : vector<8000x64xbf16>, vector<64x896xbf16>, vector<8000x896xf32> -> vector<8000x896xf32>
    %get3A_15 = arith.constant 0 : index
    %get3A_16 = arith.constant 0 : index
    %get3A_17 = vector.load %arg1[%get3A_15, %get3A_16] : memref<8000x128xf32, #tpu.memory_space<vmem>>, vector<8000x128xf32>
    %slice3A = vector.extract_strided_slice %dot_general3A_14 {offsets = [0, 0], sizes = [8000, 128], strides = [1, 1]} : vector<8000x896xf32> to vector<8000x128xf32>
    %mul3A = arith.mulf %slice3A, %get3A_17 : vector<8000x128xf32>
    %reduce_sum3A = arith.constant dense<0.000000e+00> : vector<8000xf32>
    %reduce_sum3A_18 = vector.multi_reduction <add>, %mul3A, %reduce_sum3A [1] : vector<8000x128xf32> to vector<8000xf32>
    %broadcast_in_dim3A = vector.shape_cast %reduce_sum3A_18 : vector<8000xf32> to vector<8000x1xf32>
    %slice3A_19 = vector.extract_strided_slice %dot_general3A_14 {offsets = [0, 128], sizes = [8000, 128], strides = [1, 1]} : vector<8000x896xf32> to vector<8000x128xf32>
    %mul3A_20 = arith.mulf %slice3A_19, %get3A_17 : vector<8000x128xf32>
    %reduce_sum3A_21 = arith.constant dense<0.000000e+00> : vector<8000xf32>
    %reduce_sum3A_22 = vector.multi_reduction <add>, %mul3A_20, %reduce_sum3A_21 [1] : vector<8000x128xf32> to vector<8000xf32>
    %broadcast_in_dim3A_23 = vector.shape_cast %reduce_sum3A_22 : vector<8000xf32> to vector<8000x1xf32>
    %slice3A_24 = vector.extract_strided_slice %dot_general3A_14 {offsets = [0, 256], sizes = [8000, 128], strides = [1, 1]} : vector<8000x896xf32> to vector<8000x128xf32>
    %mul3A_25 = arith.mulf %slice3A_24, %get3A_17 : vector<8000x128xf32>
    %reduce_sum3A_26 = arith.constant dense<0.000000e+00> : vector<8000xf32>
    %reduce_sum3A_27 = vector.multi_reduction <add>, %mul3A_25, %reduce_sum3A_26 [1] : vector<8000x128xf32> to vector<8000xf32>
    %broadcast_in_dim3A_28 = vector.shape_cast %reduce_sum3A_27 : vector<8000xf32> to vector<8000x1xf32>
    %slice3A_29 = vector.extract_strided_slice %dot_general3A_14 {offsets = [0, 384], sizes = [8000, 128], strides = [1, 1]} : vector<8000x896xf32> to vector<8000x128xf32>
    %mul3A_30 = arith.mulf %slice3A_29, %get3A_17 : vector<8000x128xf32>
    %reduce_sum3A_31 = arith.constant dense<0.000000e+00> : vector<8000xf32>
    %reduce_sum3A_32 = vector.multi_reduction <add>, %mul3A_30, %reduce_sum3A_31 [1] : vector<8000x128xf32> to vector<8000xf32>
    %broadcast_in_dim3A_33 = vector.shape_cast %reduce_sum3A_32 : vector<8000xf32> to vector<8000x1xf32>
    %slice3A_34 = vector.extract_strided_slice %dot_general3A_14 {offsets = [0, 512], sizes = [8000, 128], strides = [1, 1]} : vector<8000x896xf32> to vector<8000x128xf32>
    %mul3A_35 = arith.mulf %slice3A_34, %get3A_17 : vector<8000x128xf32>
    %reduce_sum3A_36 = arith.constant dense<0.000000e+00> : vector<8000xf32>
    %reduce_sum3A_37 = vector.multi_reduction <add>, %mul3A_35, %reduce_sum3A_36 [1] : vector<8000x128xf32> to vector<8000xf32>
    %broadcast_in_dim3A_38 = vector.shape_cast %reduce_sum3A_37 : vector<8000xf32> to vector<8000x1xf32>
    %slice3A_39 = vector.extract_strided_slice %dot_general3A_14 {offsets = [0, 640], sizes = [8000, 128], strides = [1, 1]} : vector<8000x896xf32> to vector<8000x128xf32>
    %mul3A_40 = arith.mulf %slice3A_39, %get3A_17 : vector<8000x128xf32>
    %reduce_sum3A_41 = arith.constant dense<0.000000e+00> : vector<8000xf32>
    %reduce_sum3A_42 = vector.multi_reduction <add>, %mul3A_40, %reduce_sum3A_41 [1] : vector<8000x128xf32> to vector<8000xf32>
    %broadcast_in_dim3A_43 = vector.shape_cast %reduce_sum3A_42 : vector<8000xf32> to vector<8000x1xf32>
    %slice3A_44 = vector.extract_strided_slice %dot_general3A_14 {offsets = [0, 768], sizes = [8000, 128], strides = [1, 1]} : vector<8000x896xf32> to vector<8000x128xf32>
    %mul3A_45 = arith.mulf %slice3A_44, %get3A_17 : vector<8000x128xf32>
    %reduce_sum3A_46 = arith.constant dense<0.000000e+00> : vector<8000xf32>
    %reduce_sum3A_47 = vector.multi_reduction <add>, %mul3A_45, %reduce_sum3A_46 [1] : vector<8000x128xf32> to vector<8000xf32>
    %broadcast_in_dim3A_48 = vector.shape_cast %reduce_sum3A_47 : vector<8000xf32> to vector<8000x1xf32>
    %broadcast_in_dim3A_49 = arith.constant 0.000000e+00 : f32
    %broadcast_in_dim3A_50 = vector.broadcast %broadcast_in_dim3A_49 : f32 to vector<8000x1xf32>
    %concatenate3A = tpu.concatenate %broadcast_in_dim3A, %broadcast_in_dim3A_23, %broadcast_in_dim3A_28, %broadcast_in_dim3A_33, %broadcast_in_dim3A_38, %broadcast_in_dim3A_43, %broadcast_in_dim3A_48, %broadcast_in_dim3A_50 in 1 : vector<8000x1xf32>, vector<8000x1xf32>, vector<8000x1xf32>, vector<8000x1xf32>, vector<8000x1xf32>, vector<8000x1xf32>, vector<8000x1xf32>, vector<8000x1xf32> -> vector<8000x8xf32>
    %get3A_51 = arith.constant 0 : index
    %get3A_52 = arith.constant 0 : index
    %get3A_53 = vector.load %arg6[%get3A_51, %get3A_52] : memref<8x16xf32, #tpu.memory_space<vmem>>, vector<8x16xf32>
    %dot_general3A_54 = arith.constant dense<0.000000e+00> : vector<8000x16xf32>
    %dot_general3A_55 = tpu.matmul %concatenate3A, %get3A_53, %dot_general3A_54 {dimension_numbers = #tpu.dot_dimension_numbers<[1], [0], [0], [1], [0, 0, 1, 1], [], []>, transpose_lhs_hint = false} : vector<8000x8xf32>, vector<8x16xf32>, vector<8000x16xf32> -> vector<8000x16xf32>
    %get3A_56 = arith.constant 0 : index
    %get3A_57 = arith.constant 0 : index
    %get3A_58 = vector.load %arg3[%get3A_56, %get3A_57] : memref<8000x9xbf16, #tpu.memory_space<vmem>>, vector<8000x9xbf16>
    %get3A_59 = arith.constant 0 : index
    %get3A_60 = arith.constant 0 : index
    %get3A_61 = vector.load %arg7[%get3A_59, %get3A_60] : memref<9x16xbf16, #tpu.memory_space<vmem>>, vector<9x16xbf16>
    %dot_general3A_62 = arith.constant dense<0.000000e+00> : vector<8000x16xf32>
    %dot_general3A_63 = tpu.matmul %get3A_58, %get3A_61, %dot_general3A_62 {dimension_numbers = #tpu.dot_dimension_numbers<[1], [0], [0], [1], [0, 0, 1, 1], [], []>, transpose_lhs_hint = false} : vector<8000x9xbf16>, vector<9x16xbf16>, vector<8000x16xf32> -> vector<8000x16xf32>
    %mul3A_64 = arith.mulf %dot_general3A_55, %dot_general3A_63 : vector<8000x16xf32>
    %slice3A_65 = vector.extract_strided_slice %mul3A_64 {offsets = [0, 0], sizes = [1000, 16], strides = [1, 1]} : vector<8000x16xf32> to vector<1000x16xf32>
    %slice3A_66 = vector.extract_strided_slice %mul3A_64 {offsets = [1000, 0], sizes = [1000, 16], strides = [1, 1]} : vector<8000x16xf32> to vector<1000x16xf32>
    %slice3A_67 = vector.extract_strided_slice %mul3A_64 {offsets = [2000, 0], sizes = [1000, 16], strides = [1, 1]} : vector<8000x16xf32> to vector<1000x16xf32>
    %slice3A_68 = vector.extract_strided_slice %mul3A_64 {offsets = [3000, 0], sizes = [1000, 16], strides = [1, 1]} : vector<8000x16xf32> to vector<1000x16xf32>
    %slice3A_69 = vector.extract_strided_slice %mul3A_64 {offsets = [4000, 0], sizes = [1000, 16], strides = [1, 1]} : vector<8000x16xf32> to vector<1000x16xf32>
    %slice3A_70 = vector.extract_strided_slice %mul3A_64 {offsets = [5000, 0], sizes = [1000, 16], strides = [1, 1]} : vector<8000x16xf32> to vector<1000x16xf32>
    %slice3A_71 = vector.extract_strided_slice %mul3A_64 {offsets = [6000, 0], sizes = [1000, 16], strides = [1, 1]} : vector<8000x16xf32> to vector<1000x16xf32>
    %slice3A_72 = vector.extract_strided_slice %mul3A_64 {offsets = [7000, 0], sizes = [1000, 16], strides = [1, 1]} : vector<8000x16xf32> to vector<1000x16xf32>
    %concatenate3A_73 = tpu.concatenate %slice3A_65, %slice3A_66, %slice3A_67, %slice3A_68, %slice3A_69, %slice3A_70, %slice3A_71, %slice3A_72 in 1 : vector<1000x16xf32>, vector<1000x16xf32>, vector<1000x16xf32>, vector<1000x16xf32>, vector<1000x16xf32>, vector<1000x16xf32>, vector<1000x16xf32>, vector<1000x16xf32> -> vector<1000x128xf32>
    %swap3A = arith.constant 0 : index
    %swap3A_74 = arith.constant 0 : index
    %swap3A_75 = vector.load %arg8[%swap3A, %swap3A_74] : memref<1000x128xf32, #tpu.memory_space<vmem>>, vector<1000x128xf32>
    tpu.vector_store %arg8[%swap3A, %swap3A_74], %concatenate3A_73 {strides = array<i32>} : memref<1000x128xf32, #tpu.memory_space<vmem>>, vector<1000x128xf32>,
    return
  }
  func.func @transform_0(%arg0: i32) -> (i32, i32) {
    %c0_i32 = arith.constant 0 : i32
    %c0_i32_0 = arith.constant 0 : i32
    return %arg0, %c0_i32 : i32, i32
  }
  func.func @transform_1(%arg0: i32) -> (i32, i32) {
    %c0_i32 = arith.constant 0 : i32
    %c0_i32_0 = arith.constant 0 : i32
    return %arg0, %c0_i32 : i32, i32
  }
  func.func @transform_2(%arg0: i32) -> (i32, i32) {
    %c0_i32 = arith.constant 0 : i32
    %c0_i32_0 = arith.constant 0 : i32
    return %arg0, %c0_i32 : i32, i32
  }
  func.func @transform_3(%arg0: i32) -> (i32, i32) {
    %c0_i32 = arith.constant 0 : i32
    %c0_i32_0 = arith.constant 0 : i32
    %c0_i32_1 = arith.constant 0 : i32
    return %c0_i32, %c0_i32_0 : i32, i32
  }
  func.func @transform_4(%arg0: i32) -> (i32, i32) {
    %c0_i32 = arith.constant 0 : i32
    %c0_i32_0 = arith.constant 0 : i32
    %c0_i32_1 = arith.constant 0 : i32
    return %c0_i32, %c0_i32_0 : i32, i32
  }
  func.func @transform_5(%arg0: i32) -> (i32, i32) {
    %c0_i32 = arith.constant 0 : i32
    %c0_i32_0 = arith.constant 0 : i32
    %c0_i32_1 = arith.constant 0 : i32
    return %c0_i32, %c0_i32_0 : i32, i32
  }
  func.func @transform_6(%arg0: i32) -> (i32, i32) {
    %c0_i32 = arith.constant 0 : i32
    %c0_i32_0 = arith.constant 0 : i32
    %c0_i32_1 = arith.constant 0 : i32
    return %c0_i32, %c0_i32_0 : i32, i32
  }
  func.func @transform_7(%arg0: i32) -> (i32, i32) {
    %c0_i32 = arith.constant 0 : i32
    %c0_i32_0 = arith.constant 0 : i32
    return %arg0, %c0_i32 : i32, i32
  }
}

module attributes {stable_mosaic.version = 14 : i64} {
  func.func @body(%arg0: memref<2x10000x16xf32, #tpu.memory_space<vmem>>, %arg1: memref<10000x128xf32, #tpu.memory_space<vmem>>, %arg2: memref<128x16xf32, #tpu.memory_space<vmem>>, %arg3: memref<10000x16xf32, #tpu.memory_space<vmem>>) attributes {dimension_semantics = [], scalar_prefetch = 0 : i64, scratch_operands = 0 : i64, tpu.core_type = #tpu.core_type<tc>} {
    %get3A = arith.constant 0 : index
    %get3A_0 = arith.constant 0 : index
    %get3A_1 = vector.load %arg1[%get3A, %get3A_0] : memref<10000x128xf32, #tpu.memory_space<vmem>>, vector<10000x128xf32>
    %get3A_2 = arith.constant 0 : index
    %get3A_3 = arith.constant 0 : index
    %get3A_4 = vector.load %arg2[%get3A_2, %get3A_3] : memref<128x16xf32, #tpu.memory_space<vmem>>, vector<128x16xf32>
    %dot_general3A = arith.constant dense<0.000000e+00> : vector<10000x16xf32>
    %dot_general3A_5 = tpu.matmul %get3A_1, %get3A_4, %dot_general3A {dimension_numbers = #tpu.dot_dimension_numbers<[1], [0], [0], [1], [0, 0, 1, 1], [], []>, transpose_lhs_hint = false} : vector<10000x128xf32>, vector<128x16xf32>, vector<10000x16xf32> -> vector<10000x16xf32>
    %get3A_6 = arith.constant 0 : index
    %get3A_7 = arith.constant 0 : index
    %get3A_8 = arith.constant 0 : index
    %get3A_9 = vector.load %arg0[%get3A_6, %get3A_7, %get3A_8] : memref<2x10000x16xf32, #tpu.memory_space<vmem>>, vector<1x10000x16xf32>
    %get3A_10 = vector.shape_cast %get3A_9 : vector<1x10000x16xf32> to vector<10000x16xf32>
    %add3A = arith.addf %dot_general3A_5, %get3A_10 : vector<10000x16xf32>
    %get3A_11 = arith.constant 1 : index
    %get3A_12 = arith.constant 0 : index
    %get3A_13 = arith.constant 0 : index
    %get3A_14 = vector.load %arg0[%get3A_11, %get3A_12, %get3A_13] : memref<2x10000x16xf32, #tpu.memory_space<vmem>>, vector<1x10000x16xf32>
    %get3A_15 = vector.shape_cast %get3A_14 : vector<1x10000x16xf32> to vector<10000x16xf32>
    %add3A_16 = arith.addf %add3A, %get3A_15 : vector<10000x16xf32>
    %swap3A = arith.constant 0 : index
    %swap3A_17 = arith.constant 0 : index
    %swap3A_18 = vector.load %arg3[%swap3A, %swap3A_17] : memref<10000x16xf32, #tpu.memory_space<vmem>>, vector<10000x16xf32>
    tpu.vector_store %arg3[%swap3A, %swap3A_17], %add3A_16 {strides = array<i32>} : memref<10000x16xf32, #tpu.memory_space<vmem>>, vector<10000x16xf32>,
    return
  }
}

</mosaic_0001>

<sc_bundles>
// kernel: gather_offload_async_start
scs
__scs_entry_jumppad:
0x0: {  	(pc) =	sbr.rel $0x88, $3  }
0x1: {  	(tag) =	ssettag $0x0;
	lr =	simm.s32 $0x1  }
0x2: {  	[smem:$0x3F9A] =	sst lr;
	_ =	strace $0xD0000000  }
0x3: {  	_ = 	snop  }
0x4: {  	_ = 	snop  }
0x5: {  	_ = 	snop  }
0x6: {  	_ = 	snop  }
0x7: {  	_ = 	snop  }
__scs_overlays_trampoline_lowered:
0x8: {  	[smem:$0x3FA9] =	sst s0  }
0x9: {  	[smem:$0x3FAA] =	sst s1  }
0xa: {  	[smem:$0x3FAB] =	sst s2  }
0xb: {  	[smem:$0x3FAC] =	sst s3  }
0xc: {  	[smem:$0x3FAD] =	sst s4  }
0xd: {  	[smem:$0x3FAE] =	sst s5  }
0xe: {  	[smem:$0x3FAF] =	sst s6  }
0xf: {  	[smem:$0x3FB0] =	sst s7  }
0x10: {  	[smem:$0x3FB1] =	sst s8  }
0x11: {  	[smem:$0x3FB2] =	sst s9;
	s0 =	simm.s32 @!p0 $0x0  }
0x12: {  	s1 =	sld [smem:$0x3F98];
	s0 =	simm.s32 @p0 $0x1  }
0x13: {  	[smem:$0x3FB3] =	sst s0;
	s0 =	simm.s32 @!p1 $0x0  }
0x14: {  	s2 =	sld [smem:$0x3F97];
	s0 =	simm.s32 @p1 $0x1  }
0x15: {  	[smem:$0x3FB4] =	sst s0;
	s0 =	simm.s32 @!p2 $0x0  }
0x16: {  	s3 =	sld [smem:$0x3FDB];
	s0 =	simm.s32 @p2 $0x1  }
0x17: {  	s4 =	simm.s32 $0x1BF5;
	[smem:$0x3FB6] =	sst s0  }
0x18: {  	s0 =	sld [smem:$0x3F99];
	_ =	swait.ge [sflag:s4], $0x0  }
0x19: {  	s7 =	sld [smem:$0x3F9A]  }
0x1a: {  	s8 =	sadd.s32 $0xFFFFE003, lr  }
0x1b: {  	s9 =	sadd.s32 $0xFFFFFEF7, lr;
	s5 =	simm.s32 $0xFFFFFFFF;
	p2 =	slt.u32 s8, $0xFFFFF086  }
0x1c: {  	p1 =	slt.u32 s9, $0xF7A;
	s5 =	simm.s32 @!p2 $0x0  }
0x1d: {  	s5 =	simm.s32 @p1 $0x1;
	p0 =	seq.s32 s7, s2  }
0x1e: {  	s7 =	smul.u32 @!p0 $0xF7A, s2;
	p2 =	seq.s32 @!p0 s5, $0x0  }
0x1f: {  	s9 =	smul.u32 $0xF7A, s1;
	s8 =	simm.s32 @!p0 $0x1BF5;
	p2 =	por !p2, p0  }
0x20: {  	[sflag:s8] =	ssyncset.s32 @!p0 $0xFFFFF086;
	s6 =	sadd.s32 @!p0 s3, s7;
	s7 =	simm.s32 @!p0 $0x108  }
0x21: {  	s3 =	sadd.s32 s3, s9;
	s6 =	sadd.s32 @!p0 $0x88, s6;
	s7 =	simm.s32 @p2 $0x1082  }
0x22: {  	[simem:s7], [sflag:s8] =	dma.local @!p0 [hbm:s6], $0xF7A  }
0x23: {  	s9 =	sor.u32 $0xD0000000, s2;
	s6 =	simm.s32 $0x108;
	_ =	swait.ge @!p0 [sflag:s8], $0x0  }
0x24: {  	s3 =	sadd.s32 $0x88, s3;
	s6 =	simm.s32 @!p1 $0x1082;
	[sflag:s4] =	ssyncset.s32 $0xFFFFF086  }
0x25: {  	[simem:s6], [sflag:s4] =	dma.local [hbm:s3], $0xF7A  }
0x26: {  	[smem:$0x3F9A] =	sst s1;
	(tag) =	ssettag s2;
	_ =	strace s9  }
0x27: {  	s1 =	sld [smem:$0x3FAA]  }
0x28: {  	s2 =	sld [smem:$0x3FAB]  }
0x29: {  	s4 =	sld [smem:$0x3FAD]  }
0x2a: {  	p0 =	seq.s32 s5, $0x0;
	s5 =	sld [smem:$0x3FAE]  }
0x2b: {  	s6 =	sld [smem:$0x3FAF]  }
0x2c: {  	s7 =	sld [smem:$0x3FB0]  }
0x2d: {  	s3 =	simm.s32 $0x108;
	s8 =	sld [smem:$0x3FB1]  }
0x2e: {  	s3 =	simm.s32 @!p0 $0x1082;
	s9 =	sld [smem:$0x3FB2]  }
0x2f: {  	lr =	sadd.s32 s0, s3;
	s0 =	sld [smem:$0x3FA9]  }
0x30: {  	s3 =	sld [smem:$0x3FAC]  }
0x31: {  	[smem:$0x3FB5] =	sst s10  }
0x32: {  	s10 =	sld [smem:$0x3FB3];
	_ =	sdelay $0x3  }
0x33: {  	p0 =	seq.s32 s10, $0x1;
	s10 =	sld [smem:$0x3FB5];
	_ =	sdelay $0x3  }
0x34: {  	[smem:$0x3FB5] =	sst s10  }
0x35: {  	s10 =	sld [smem:$0x3FB4];
	_ =	sdelay $0x3  }
0x36: {  	p1 =	seq.s32 s10, $0x1;
	s10 =	sld [smem:$0x3FB5];
	_ =	sdelay $0x3  }
0x37: {  	[smem:$0x3FB5] =	sst s10  }
0x38: {  	s10 =	sld [smem:$0x3FB6]  }
0x39: {  	_ = 	snop;
	(pc) =	sbr.ind lr, $3  }
0x3a: {  	_ = 	snop  }
0x3b: {  	_ = 	snop  }
0x3c: {  	p2 =	seq.s32 s10, $0x1;
	s10 =	sld [smem:$0x3FB5]  }
0x3d: {  	_ =	shalt  }
0x3e: {  	_ =	shalt  }
0x3f: {  	_ =	shalt  }
0x40: {  	_ =	shalt  }
0x41: {  	_ =	shalt  }
0x42: {  	_ =	shalt  }
0x43: {  	_ =	shalt  }
0x44: {  	_ =	shalt  }
0x45: {  	_ =	shalt  }
0x46: {  	_ =	shalt  }
0x47: {  	_ =	shalt  }
0x48: {  	_ =	shalt  }
0x49: {  	_ =	shalt  }
0x4a: {  	_ =	shalt  }
0x4b: {  	_ =	shalt  }
0x4c: {  	_ =	shalt  }
0x4d: {  	_ =	shalt  }
0x4e: {  	_ =	shalt  }
0x4f: {  	_ =	shalt  }
0x50: {  	_ =	shalt  }
0x51: {  	_ =	shalt  }
0x52: {  	_ =	shalt  }
0x53: {  	_ =	shalt  }
0x54: {  	_ =	shalt  }
0x55: {  	_ =	shalt  }
0x56: {  	_ =	shalt  }
0x57: {  	_ =	shalt  }
0x58: {  	_ =	shalt  }
0x59: {  	_ =	shalt  }
0x5a: {  	_ =	shalt  }
0x5b: {  	_ =	shalt  }
0x5c: {  	_ =	shalt  }
0x5d: {  	_ =	shalt  }
0x5e: {  	_ =	shalt  }
0x5f: {  	_ =	shalt  }
0x60: {  	_ =	shalt  }
0x61: {  	_ =	shalt  }
0x62: {  	_ =	shalt  }
0x63: {  	_ =	shalt  }
0x64: {  	_ =	shalt  }
0x65: {  	_ =	shalt  }
0x66: {  	_ =	shalt  }
0x67: {  	_ =	shalt  }
0x68: {  	_ =	shalt  }
0x69: {  	_ =	shalt  }
0x6a: {  	_ =	shalt  }
0x6b: {  	_ =	shalt  }
0x6c: {  	_ =	shalt  }
0x6d: {  	_ =	shalt  }
0x6e: {  	_ =	shalt  }
0x6f: {  	_ =	shalt  }
0x70: {  	_ =	shalt  }
0x71: {  	_ =	shalt  }
0x72: {  	_ =	shalt  }
0x73: {  	_ =	shalt  }
0x74: {  	_ =	shalt  }
0x75: {  	_ =	shalt  }
0x76: {  	_ =	shalt  }
0x77: {  	_ =	shalt  }
0x78: {  	_ =	shalt  }
0x79: {  	_ =	shalt  }
0x7a: {  	_ =	shalt  }
0x7b: {  	_ =	shalt  }
0x7c: {  	_ =	shalt  }
0x7d: {  	_ =	shalt  }
0x7e: {  	_ =	shalt  }
0x7f: {  	_ =	shalt  }
0x80: {  	_ =	shalt  }
0x81: {  	_ =	shalt  }
0x82: {  	_ =	shalt  }
0x83: {  	_ =	shalt  }
0x84: {  	_ =	shalt  }
0x85: {  	_ =	shalt  }
0x86: {  	_ =	shalt  }
0x87: {  	_ =	shalt  }
.Lfunc_end0:
.L_simem_size_0:
called_computation_lowered:
.L_overlay_start_0:
0x88: {  	s2 =	sld [smem:$0x3FD9]  }
0x89: {  	s3 =	sld [smem:$0x3FFE];
	_ =	sdelay $0x1  }
0x8a: {  	s1 =	srdreg.scid  }
0x8b: {  	s0 =	sand.u32 $0x1, s1  }
0x8c: {  	s17 =	sshll.u32 s0, $0xA;
	s2 =	sadd.s32 s3, s2  }
0x8d: {  	s2 =	sadd.s32 s2, s17  }
0x8e: {  	[smem:$0x3FC1] =	sst s2  }
0x8f: {  	_ = 	snop  }
0x90: {  	s2 =	sld [smem:$0x3FD0];
	(tm) =	ssettm $0x1  }
0x91: {  	s18 =	sld [smem:$0x3FFB];
	_ =	sdelay $0x3  }
0x92: {  	_ =	strace s18  }
0x93: {  	s3 =	sld [smem:$0x3FFC];
	_ =	sdelay $0x3  }
0x94: {  	_ =	strace s3  }
0x95: {  	s3 =	sld [smem:$0x3FFD];
	_ =	sdelay $0x3  }
0x96: {  	_ =	strace s3  }
0x97: {  	_ =	strace $0x8FFFFFFF  }
0x98: {  	s19 =	sld [smem:$0x3FDB];
	_ =	sdelay $0x1  }
0x99: {  	s4 =	simm.s32 $_scs_section_size  }
0x9a: {  	s5 =	simm.s32 $_size__tile_overlayer_lowered;
	s6 =	simm.s32 $_tile_overlayer_lowered  }
0x9b: {  	s22 =	simm.s32 $0x1BFF;
	s21 =	sshll.u32 s6, $0x1;
	s3 =	sadd.s32 s4, s19  }
0x9c: {  	s7 =	simm.s32 $0x0;
	s20 =	sshll.u32 s5, $0x1;
	s5 =	sadd.s32 s21, s3  }
0x9d: {  	[timem:s7], [sflag:s22] =	dma.local [hbm:s5], s20  }
0x9e: {  	_ =	swait.ge [sflag:s22], s20  }
0x9f: {  	s4 =	ssub.s32 $0x0, s20;
	[sflag:s22] =	ssyncset.done $0x0  }
0xa0: {  	[sflag:s22] =	ssyncadd.s32 s4;
	_ =	sdelay $0x1  }
0xa1: {  	s23 =	simm.s32 $0x1B8B  }
0xa2: {  	_ =	swait.ge [sflag:s23], $0x1  }
0xa3: {  	[sflag:s23] =	ssyncset.done $0x0  }
0xa4: {  	s25 =	simm.s32 $0x1B8E;
	s24 =	sld [smem:$0x3FFE];
	[sflag:s23] =	ssyncadd.s32 $0xFFFFFFFF  }
0xa5: {  	s26 =	simm.s32 $execute0_lowered;
	[smem:$0x3FD2] =	sst s25  }
0xa6: {  	s5 =	sshll.u32 s26, $0x1;
	_ =	strace $0x80000046;
	[dreg:$0x1] =	wrdreg $0xFFFFFFFF  }
0xa7: {  	s28 =	simm.s32 $_size_execute0_lowered;
	s3 =	sadd.s32 s3, s5;
	[dreg:$0x0] =	wrdreg $0x0  }
0xa8: {  	s5 =	sshll.u32 s28, $0x1;
	[dreg:$0x2] =	wrdreg s3  }
0xa9: {  	[dreg:$0x3] =	wrdreg s5  }
0xaa: {  	[dreg:$0x4] =	wrdreg $0xC0  }
0xab: {  	_ =	task [dreg:s7], $0x5FFFF  }
0xac: {  	[dreg:$0x1] =	wrdreg $0xFFFFFFFF  }
0xad: {  	[dreg:$0x0] =	wrdreg $0x60  }
0xae: {  	[dreg:$0x2] =	wrdreg s2  }
0xaf: {  	[dreg:$0x3] =	wrdreg s24  }
0xb0: {  	[dreg:$0x4] =	wrdreg $0x9  }
0xb1: {  	_ =	task.clear_ibuf [dreg:s7], $0x5FFFF;
	_ =	strace $0x90000046  }
0xb2: {  	s29 =	simm.s32 $0x9;
	_ =	strace $0x80000048  }
0xb3: {  	_ =	swait.ge [sflag:s29], $0x1  }
0xb4: {  	[sflag:s29] =	ssyncadd.s32 $0xFFFFFFFF  }
0xb5: {  	_ =	strace $0x90000048  }
0xb6: {  	_ =	sfence  }
0xb7: {  	s30 =	sld [smem:$0x0];
	_ =	sdelay $0x2  }
0xb8: {  	s31 =	sshll.u32 s1, $0xD;
	s1 =	sshrl.u32 s1, $0x2  }
0xb9: {  	s3 =	sand.u32 $0x4000, s31;
	s1 =	sadd.s32 s1, s30  }
0xba: {  	s0 =	sor.u32 s3, s0;
	s1 =	sshll.u32 s1, $0x11  }
0xbb: {  	s0 =	sor.u32 s1, s0  }
0xbc: {  	s0 =	sadd.s32 $0x8F2B, s0  }
0xbd: {  	[sflag:s0] =	ssyncadd.remote.s32 $0x1  }
0xbe: {  	_ =	sfence.sel $0xFFFF  }
0xbf: {  	[dreg:$0x0] =	wrdreg $0xFFFFFFFF;
	(pc) =	sbr.abs _section_cstart, $3  }
0xc0: {  	[dreg:$0x1] =	wrdreg $0xFFFFFFFF  }
0xc1: {  	_ =	task.clear_ibuf [dreg:s7], $0x2FFFF;
	_ =	strace $0x9FFFFFFF  }
0xc2: {  	(tm) =	ssettm $0x7FFFFFFF  }
0xc3: {  	_ =	shalt  }
tec
execute0_lowered:
.L_overlay_start_1:
0x0: {  	(tag) =	ssettag $0x1  }
0x1: {  	s2 =	rddreg [dreg:$0x0]  }
0x2: {  	s8 =	rddreg [dreg:$0x1]  }
0x3: {  	s0 =	rddreg [dreg:$0x2];
	s1 =	stileid.u32  }
0x4: {  	s3 =	srdreg.scid;
	_ =	strace $0x80000047;
	s4 =	simm.s32 $0x1  }
0x5: {  	s7 =	simm.s32 $0x1;
	s9 =	simm.s32 $0x1;
	s10 =	simm.s32 $0x3  }
0x6: {  	s13 =	simm.s32 $0x0;
	s5 =	sand.u32 $0x1, s3;
	s6 =	sshll.u32 s1, $0x1  }
0x7: {  	s12 =	simm.s32 $0x0;
	s3 =	sadd.s32 $0x2400, s8;
	s5 =	sor.u32 s6, s5  }
.Ltmp0:
0x8: {  	[sflag:s4] =	ssyncpa.u1 $0x0;
	p0 =	slt.u32 s5, $0x9;
	(pc) =	sbr.rel .LBB2_1-.Ltmp0, $4  }
0x9: {  	s6 =	simm.s32 $0x2;
	s7 =	simm.s32 @!p0 $0x0;
	p0 =	sne.s32 s5, $0x8  }
0xa: {  	[sflag:s6] =	ssyncpa.u1 $0x0;
	s5 =	smul.u32 $0xFA0, s5;
	s9 =	simm.s32 @!p0 $0x0  }
0xb: {  	s8 =	sadd.s32 $0xC400, s8;
	[sflag:s10] =	ssyncpa.u1 $0x0;
	s7 =	sadd.s32 s9, s7  }
0xc: {  	vm0 =	vmmov $0xffff;
	s10 =	simm.s32 $0x0;
	s11 =	smov.u32 s5;
	s9 =	sadd.s32 $0x1, s7  }
.LBB2_4:
0xd: {  	v2 =	vnsel vm1, $0x0, v2  }
0xe: {  	vm1 =	vgt.s32 v0, $0x0;
	v2 =	vmin.u32 v2, $0x270FF  }
0xf: {  	v0 =	vnsel vm1, $0x0, v0  }
0x10: {  	v0 =	vmin.u32 v0, $0x270FF  }
0x11: {  	[tilespmem:s18], [sflag:$0x1] =	stream.indirect_vreg.gather [hbm4b:s2+s10], $0x1, v1, vm0, $0x4038;
	[tilespmem:$0x3E80] =	vst v63  }
0x12: {  	(ifvalue) =	ssetifvalue $0x7FFFFFFF  }
0x13: {  	[tilespmem:s15], [sflag:$0x1] =	stream.indirect_vreg.gather [hbm4b:s2+s10], $0x1, v2, vm0, $0x4038;
	[tilespmem:$0x3E80] =	vst v63  }
0x14: {  	s29 =	sadd.s32 $0x10, s15;
	(ifvalue) =	ssetifvalue $0x7FFFFFFF  }
0x15: {  	[tilespmem:s29], [sflag:$0x1] =	stream.indirect_vreg.gather [hbm4b:s2+s10], $0x1, v0, vm0, $0x4038;
	[tilespmem:$0x3E80] =	vst v63  }
0x16: {  	_ =	swait.ge [sflag:s4], $0xFA0  }
0x17: {  	s30 =	sshrl.u32 s13, $0x3;
	[sflag:s4] =	ssyncset.done $0x0  }
0x18: {  	s31 =	sand.u32 $0x7, s13;
	s15 =	sadd.s32 s8, s30;
	[sflag:s4] =	ssyncadd.s32 $0xFFFFF060  }
0x19: {  	[hbm4b:s15+s31] =	stream.linear.scatter [tilespmem:s14], [sflag:$0x3], $0xFA0, $0x38;
	[tilespmem:$0x3E80] =	vst v63  }
.LBB2_5:
0x1a: {  	s15 =	sadd.s32 $0x1F400, s11  }
0x1b: {  	p1 =	sgt.s32 s15, $0x270FF  }
0x1c: {  	s15 =	smov.u32 @p1 s5;
	p1 =	sne.s32 s12, s9  }
.Ltmp1:
0x1d: {  	p0 =	slt.u32 s12, $0x2;
	(pc) =	sbr.rel @!p1 .LBB2_6-.Ltmp1, $4  }
0x1e: {  	s14 =	simm.s32 @!p0 $0x3  }
0x1f: {  	_ =	swait.ge @!p0 [sflag:s14], $0xFA0  }
0x20: {  	s16 =	sadd.s32 $0x1, s12;
	s13 =	smov.u32 s11;
	[sflag:s14] =	ssyncset.done @!p0 $0x0  }
0x21: {  	s12 =	smov.u32 s16;
	s11 =	smov.u32 s15;
	[sflag:s14] =	ssyncadd.s32 @!p0 $0xFFFFF060  }
.LBB2_1:
0x22: {  	p0 =	sge.u32 s12, s7  }
0x23: {  	s14 =	sxor.u32 @!p0 $0x1, s12  }
0x24: {  	s14 =	smul.u32 @!p0 $0x3E80, s14  }
0x25: {  	s31 =	sadd.s32 $0xFFFFFFFF, s12;
	s15 =	sshrl.u32 @!p0 s11, $0x3  }
0x26: {  	s16 =	sand.u32 @!p0 $0x7, s11;
	s15 =	sadd.s32 @!p0 s3, s15;
	s14 =	sshra.s32 @!p0 s14, $0x2  }
0x27: {  	[tilespmem:s14], [sflag:$0x2] =	stream.linear.gather @!p0 [hbm4b:s15+s16], $0xFA0, $0x38;
	[tilespmem:$0x3E80] =	vst v63  }
0x28: {  	p0 =	sge.u32 s31, s7  }
.Ltmp2:
0x29: {  	_ = 	snop;
	(pc) =	sbr.rel @p0 .LBB2_5-.Ltmp2, $1  }
0x2a: {  	_ =	sdelay $0x3  }
0x2b: {  	s14 =	sand.u32 $0x1, s12  }
0x2c: {  	_ =	swait.ge [sflag:s6], $0xFA0;
	p0 =	seq.s32 s14, $0x1;
	s14 =	simm.s32 $0xFA0  }
0x2d: {  	[sflag:s6] =	ssyncset.done $0x0;
	s14 =	simm.s32 @!p0 $0x0  }
0x2e: {  	[sflag:s6] =	ssyncadd.s32 $0xFFFFF060;
	(ifvalue) =	ssetifvalue $0x7FFFFFFF;
	v0 =	vld.msk [tilespmem:s14+$0x0 ss:$0x1], $0xffff;
	_ =	sdelay $0x4  }
0x2f: {  	s15 =	sadd.s32 $0x10, s14;
	vm1 =	vgt.s32 v0, $0x0  }
0x30: {  	v2 =	vld.msk [tilespmem:s15+$0x0 ss:$0x1], $0xffff;
	v1 =	vnsel vm1, $0x0, v0  }
0x31: {  	v1 =	vmin.u32 v1, $0x270FF;
	_ =	sdelay $0x2  }
0x32: {  	s17 =	simm.s32 $0x20;
	s14 =	sadd.s32 $0x1F40, s14;
	s16 =	sadd.s32 $0x10, s15  }
0x33: {  	s15 =	sadd.s32 $0x10, s14;
	s18 =	smov.u32 s14;
	v0 =	vld.msk [tilespmem:s16+$0x0 ss:$0x1], $0xffff;
	vm1 =	vgt.s32 v2, $0x0;
	(ifvalue) =	ssetifvalue $0x7FFFFFFF  }
.LBB2_3:
0x34: {  	[tilespmem:s18], [sflag:$0x1] =	stream.indirect_vreg.gather [hbm4b:s2+s10], $0x1, v1, vm0, $0x4038;
	[tilespmem:$0x3E80] =	vst v63  }
0x35: {  	s17 =	sadd.s32 $0x10, s17  }
0x36: {  	v2 =	vnsel vm1, $0x0, v2;
	p0 =	slt.u32 s17, $0xF90  }
.Ltmp3:
0x37: {  	s18 =	smov.u32 s15;
	v1 =	vmin.u32 v2, $0x270FF;
	(pc) =	sbr.rel @p0 .LBB2_3-.Ltmp3, $3  }
0x38: {  	_ =	sdelay $0x1  }
0x39: {  	s16 =	sadd.s32 $0x10, s16  }
0x3a: {  	vm1 =	vgt.s32 v0, $0x0;
	s15 =	sadd.s32 $0x10, s15;
	v2 =	vmov v0;
	(ifvalue) =	ssetifvalue $0x7FFFFFFF;
	v0 =	vld.msk [tilespmem:s16+$0x0 ss:$0x1], $0xffff  }
.Ltmp4:
0x3b: {  	_ = 	snop;
	(pc) =	sbr.rel .LBB2_4-.Ltmp4, $1  }
0x3c: {  	_ =	sdelay $0x3  }
.LBB2_6:
0x3d: {  	_ =	sfence.sel $0x180000  }
0x3e: {  	s2 =	simm.s32 $0x2;
	[bflag:$0x0] =	sbarrier.arrive $0xFFFF  }
0x3f: {  	s30 =	simm.s32 $0x3;
	[sflag:s2] =	ssyncpa.u1 $0x1  }
0x40: {  	s31 =	simm.s32 $0x1;
	[sflag:s30] =	ssyncpa.u1 $0x1  }
0x41: {  	[sflag:s31] =	ssyncpa.u1 $0x1  }
0x42: {  	p0 =	sne.s32 s1, $0x0;
	_ =	strace $0x90000047  }
0x43: {  	s0 =	sadd.s32 @!p0 $0x100000, s0;
	[bflag:$0x2] =	sbarrier.arrive $0xFFFF  }
0x44: {  	[sflag:s0] =	ssyncadd.tile.s32 @!p0 $0x1;
	_ =	shalt  }
.Lfunc_end2:
_tile_overlayer_lowered:
.L_overlay_start_2:
0x45: {  	(tag) =	ssettag $0x2  }
0x46: {  	s0 =	rddreg [dreg:$0x0];
	s2 =	stileid.u32  }
0x47: {  	s1 =	rddreg [dreg:$0x1];
	p0 =	sne.s32 s2, $0x0  }
0x48: {  	s3 =	rddreg [dreg:$0x2];
	[bflag:$0x3] =	sbarrier.arrive $0xFFFF;
	s2 =	simm.s32 @!p0 $0x1C01  }
0x49: {  	[timem:s3], [sflag:s2] =	dma.local @!p0 [hbm:s0], s1  }
0x4a: {  	s0 =	simm.s32 @!p0 $0x1  }
0x4b: {  	_ =	swait.ge @!p0 [sflag:s0], s1  }
0x4c: {  	s1 =	ssub.s32 @!p0 $0x0, s1;
	[sflag:s0] =	ssyncset.done @!p0 $0x0  }
0x4d: {  	[sflag:s0] =	ssyncadd.s32 @!p0 s1  }
0x4e: {  	[bflag:$0x3] =	sbarrier.arrive $0xFFFF  }
0x4f: {  	_ =	shalt  }

// kernel: kernel.6.cloned.1.call-start
scs
__scs_entry_jumppad:
0x0: {  	(pc) =	sbr.rel $0x88, $3  }
0x1: {  	(tag) =	ssettag $0x0;
	lr =	simm.s32 $0x1  }
0x2: {  	[smem:$0x3F9A] =	sst lr;
	_ =	strace $0xD0000000  }
0x3: {  	_ = 	snop  }
0x4: {  	_ = 	snop  }
0x5: {  	_ = 	snop  }
0x6: {  	_ = 	snop  }
0x7: {  	_ = 	snop  }
__scs_overlays_trampoline_lowered:
0x8: {  	[smem:$0x3FA9] =	sst s0  }
0x9: {  	[smem:$0x3FAA] =	sst s1  }
0xa: {  	[smem:$0x3FAB] =	sst s2  }
0xb: {  	[smem:$0x3FAC] =	sst s3  }
0xc: {  	[smem:$0x3FAD] =	sst s4  }
0xd: {  	[smem:$0x3FAE] =	sst s5  }
0xe: {  	[smem:$0x3FAF] =	sst s6  }
0xf: {  	[smem:$0x3FB0] =	sst s7  }
0x10: {  	[smem:$0x3FB1] =	sst s8  }
0x11: {  	[smem:$0x3FB2] =	sst s9;
	s0 =	simm.s32 @!p0 $0x0  }
0x12: {  	s1 =	sld [smem:$0x3F98];
	s0 =	simm.s32 @p0 $0x1  }
0x13: {  	[smem:$0x3FB3] =	sst s0;
	s0 =	simm.s32 @!p1 $0x0  }
0x14: {  	s2 =	sld [smem:$0x3F97];
	s0 =	simm.s32 @p1 $0x1  }
0x15: {  	[smem:$0x3FB4] =	sst s0;
	s0 =	simm.s32 @!p2 $0x0  }
0x16: {  	s3 =	sld [smem:$0x3FDB];
	s0 =	simm.s32 @p2 $0x1  }
0x17: {  	s4 =	simm.s32 $0x1BF5;
	[smem:$0x3FB6] =	sst s0  }
0x18: {  	s0 =	sld [smem:$0x3F99];
	_ =	swait.ge [sflag:s4], $0x0  }
0x19: {  	s7 =	sld [smem:$0x3F9A]  }
0x1a: {  	s8 =	sadd.s32 $0xFFFFE003, lr  }
0x1b: {  	s9 =	sadd.s32 $0xFFFFFEF7, lr;
	s5 =	simm.s32 $0xFFFFFFFF;
	p2 =	slt.u32 s8, $0xFFFFF086  }
0x1c: {  	p1 =	slt.u32 s9, $0xF7A;
	s5 =	simm.s32 @!p2 $0x0  }
0x1d: {  	s5 =	simm.s32 @p1 $0x1;
	p0 =	seq.s32 s7, s2  }
0x1e: {  	s7 =	smul.u32 @!p0 $0xF7A, s2;
	p2 =	seq.s32 @!p0 s5, $0x0  }
0x1f: {  	s9 =	smul.u32 $0xF7A, s1;
	s8 =	simm.s32 @!p0 $0x1BF5;
	p2 =	por !p2, p0  }
0x20: {  	[sflag:s8] =	ssyncset.s32 @!p0 $0xFFFFF086;
	s6 =	sadd.s32 @!p0 s3, s7;
	s7 =	simm.s32 @!p0 $0x108  }
0x21: {  	s3 =	sadd.s32 s3, s9;
	s6 =	sadd.s32 @!p0 $0x88, s6;
	s7 =	simm.s32 @p2 $0x1082  }
0x22: {  	[simem:s7], [sflag:s8] =	dma.local @!p0 [hbm:s6], $0xF7A  }
0x23: {  	s9 =	sor.u32 $0xD0000000, s2;
	s6 =	simm.s32 $0x108;
	_ =	swait.ge @!p0 [sflag:s8], $0x0  }
0x24: {  	s3 =	sadd.s32 $0x88, s3;
	s6 =	simm.s32 @!p1 $0x1082;
	[sflag:s4] =	ssyncset.s32 $0xFFFFF086  }
0x25: {  	[simem:s6], [sflag:s4] =	dma.local [hbm:s3], $0xF7A  }
0x26: {  	[smem:$0x3F9A] =	sst s1;
	(tag) =	ssettag s2;
	_ =	strace s9  }
0x27: {  	s1 =	sld [smem:$0x3FAA]  }
0x28: {  	s2 =	sld [smem:$0x3FAB]  }
0x29: {  	s4 =	sld [smem:$0x3FAD]  }
0x2a: {  	p0 =	seq.s32 s5, $0x0;
	s5 =	sld [smem:$0x3FAE]  }
0x2b: {  	s6 =	sld [smem:$0x3FAF]  }
0x2c: {  	s7 =	sld [smem:$0x3FB0]  }
0x2d: {  	s3 =	simm.s32 $0x108;
	s8 =	sld [smem:$0x3FB1]  }
0x2e: {  	s3 =	simm.s32 @!p0 $0x1082;
	s9 =	sld [smem:$0x3FB2]  }
0x2f: {  	lr =	sadd.s32 s0, s3;
	s0 =	sld [smem:$0x3FA9]  }
0x30: {  	s3 =	sld [smem:$0x3FAC]  }
0x31: {  	[smem:$0x3FB5] =	sst s10  }
0x32: {  	s10 =	sld [smem:$0x3FB3];
	_ =	sdelay $0x3  }
0x33: {  	p0 =	seq.s32 s10, $0x1;
	s10 =	sld [smem:$0x3FB5];
	_ =	sdelay $0x3  }
0x34: {  	[smem:$0x3FB5] =	sst s10  }
0x35: {  	s10 =	sld [smem:$0x3FB4];
	_ =	sdelay $0x3  }
0x36: {  	p1 =	seq.s32 s10, $0x1;
	s10 =	sld [smem:$0x3FB5];
	_ =	sdelay $0x3  }
0x37: {  	[smem:$0x3FB5] =	sst s10  }
0x38: {  	s10 =	sld [smem:$0x3FB6]  }
0x39: {  	_ = 	snop;
	(pc) =	sbr.ind lr, $3  }
0x3a: {  	_ = 	snop  }
0x3b: {  	_ = 	snop  }
0x3c: {  	p2 =	seq.s32 s10, $0x1;
	s10 =	sld [smem:$0x3FB5]  }
0x3d: {  	_ =	shalt  }
0x3e: {  	_ =	shalt  }
0x3f: {  	_ =	shalt  }
0x40: {  	_ =	shalt  }
0x41: {  	_ =	shalt  }
0x42: {  	_ =	shalt  }
0x43: {  	_ =	shalt  }
0x44: {  	_ =	shalt  }
0x45: {  	_ =	shalt  }
0x46: {  	_ =	shalt  }
0x47: {  	_ =	shalt  }
0x48: {  	_ =	shalt  }
0x49: {  	_ =	shalt  }
0x4a: {  	_ =	shalt  }
0x4b: {  	_ =	shalt  }
0x4c: {  	_ =	shalt  }
0x4d: {  	_ =	shalt  }
0x4e: {  	_ =	shalt  }
0x4f: {  	_ =	shalt  }
0x50: {  	_ =	shalt  }
0x51: {  	_ =	shalt  }
0x52: {  	_ =	shalt  }
0x53: {  	_ =	shalt  }
0x54: {  	_ =	shalt  }
0x55: {  	_ =	shalt  }
0x56: {  	_ =	shalt  }
0x57: {  	_ =	shalt  }
0x58: {  	_ =	shalt  }
0x59: {  	_ =	shalt  }
0x5a: {  	_ =	shalt  }
0x5b: {  	_ =	shalt  }
0x5c: {  	_ =	shalt  }
0x5d: {  	_ =	shalt  }
0x5e: {  	_ =	shalt  }
0x5f: {  	_ =	shalt  }
0x60: {  	_ =	shalt  }
0x61: {  	_ =	shalt  }
0x62: {  	_ =	shalt  }
0x63: {  	_ =	shalt  }
0x64: {  	_ =	shalt  }
0x65: {  	_ =	shalt  }
0x66: {  	_ =	shalt  }
0x67: {  	_ =	shalt  }
0x68: {  	_ =	shalt  }
0x69: {  	_ =	shalt  }
0x6a: {  	_ =	shalt  }
0x6b: {  	_ =	shalt  }
0x6c: {  	_ =	shalt  }
0x6d: {  	_ =	shalt  }
0x6e: {  	_ =	shalt  }
0x6f: {  	_ =	shalt  }
0x70: {  	_ =	shalt  }
0x71: {  	_ =	shalt  }
0x72: {  	_ =	shalt  }
0x73: {  	_ =	shalt  }
0x74: {  	_ =	shalt  }
0x75: {  	_ =	shalt  }
0x76: {  	_ =	shalt  }
0x77: {  	_ =	shalt  }
0x78: {  	_ =	shalt  }
0x79: {  	_ =	shalt  }
0x7a: {  	_ =	shalt  }
0x7b: {  	_ =	shalt  }
0x7c: {  	_ =	shalt  }
0x7d: {  	_ =	shalt  }
0x7e: {  	_ =	shalt  }
0x7f: {  	_ =	shalt  }
0x80: {  	_ =	shalt  }
0x81: {  	_ =	shalt  }
0x82: {  	_ =	shalt  }
0x83: {  	_ =	shalt  }
0x84: {  	_ =	shalt  }
0x85: {  	_ =	shalt  }
0x86: {  	_ =	shalt  }
0x87: {  	_ =	shalt  }
.Lfunc_end0:
.L_simem_size_0:
called_computation.1_lowered:
.L_overlay_start_0:
0x88: {  	s2 =	sld [smem:$0x3FD9]  }
0x89: {  	s3 =	sld [smem:$0x3FFE];
	_ =	sdelay $0x1  }
0x8a: {  	s1 =	srdreg.scid  }
0x8b: {  	s0 =	sand.u32 $0x1, s1  }
0x8c: {  	s17 =	sshll.u32 s0, $0xA;
	s2 =	sadd.s32 s3, s2  }
0x8d: {  	s2 =	sadd.s32 s2, s17  }
0x8e: {  	[smem:$0x3FC1] =	sst s2  }
0x8f: {  	_ = 	snop  }
0x90: {  	s18 =	sld [smem:$0x3FC9];
	(tm) =	ssettm $0x1  }
0x91: {  	s19 =	sld [smem:$0x3FFB];
	_ =	sdelay $0x3  }
0x92: {  	_ =	strace s19  }
0x93: {  	s2 =	sld [smem:$0x3FFC];
	_ =	sdelay $0x3  }
0x94: {  	_ =	strace s2  }
0x95: {  	s2 =	sld [smem:$0x3FFD];
	_ =	sdelay $0x3  }
0x96: {  	_ =	strace s2  }
0x97: {  	_ =	strace $0x8FFFFFFF  }
0x98: {  	s20 =	sld [smem:$0x3FDB];
	_ =	sdelay $0x1  }
0x99: {  	s4 =	simm.s32 $_scs_section_size  }
0x9a: {  	s5 =	simm.s32 $_size__tile_overlayer_lowered;
	s6 =	simm.s32 $_tile_overlayer_lowered  }
0x9b: {  	s7 =	simm.s32 $0x1BFF;
	s21 =	sshll.u32 s6, $0x1;
	s4 =	sadd.s32 s4, s20  }
0x9c: {  	s22 =	simm.s32 $0x0;
	s5 =	sshll.u32 s5, $0x1;
	s6 =	sadd.s32 s21, s4  }
0x9d: {  	[timem:s22], [sflag:s7] =	dma.local [hbm:s6], s5  }
0x9e: {  	_ =	swait.ge [sflag:s7], s5  }
0x9f: {  	s5 =	ssub.s32 $0x0, s5;
	[sflag:s7] =	ssyncset.done $0x0  }
0xa0: {  	[sflag:s7] =	ssyncadd.s32 s5;
	_ =	sdelay $0x1  }
0xa1: {  	s23 =	simm.s32 $0x1B8B  }
0xa2: {  	_ =	swait.ge [sflag:s23], $0x1  }
0xa3: {  	[sflag:s23] =	ssyncset.done $0x0  }
0xa4: {  	[sflag:s23] =	ssyncadd.s32 $0xFFFFFFFF  }
0xa5: {  	s5 =	sld [smem:$0x0]  }
0xa6: {  	s6 =	sand.u32 $0xFFFFFFFE, s1  }
0xa7: {  	p0 =	sne.s32 s1, s6  }
0xa8: {  	s6 =	sshll.u32 @p0 s6, $0xE  }
0xa9: {  	s6 =	sadd.s32 @p0 $0x11B8D, s6;
	s7 =	sshll.u32 @p0 s5, $0x11  }
0xaa: {  	s6 =	sor.u32 @p0 s7, s6  }
0xab: {  	[sflag:s6] =	ssyncadd.remote.s32 @p0 $0x1;
	_ =	sdelay $0x1  }
0xac: {  	s6 =	simm.s32 @p0 $0x1B8D  }
0xad: {  	_ =	swait.eq @p0 [sflag:s6], $0x1  }
0xae: {  	[sflag:s6] =	ssyncadd.s32 @p0 $0xFFFFFFFF  }
0xaf: {  	s7 =	sshll.u32 @!p0 s1, $0xE  }
0xb0: {  	s7 =	sor.u32 @!p0 $0x4000, s7;
	s6 =	simm.s32 @!p0 $0x1B8D  }
0xb1: {  	s5 =	sshll.u32 @!p0 s5, $0x11;
	s7 =	sadd.s32 @!p0 $0x11B8D, s7;
	_ =	swait.eq @!p0 [sflag:s6], $0x1  }
0xb2: {  	s5 =	sor.u32 @!p0 s5, s7;
	[sflag:s6] =	ssyncadd.s32 @!p0 $0xFFFFFFFF  }
0xb3: {  	s25 =	simm.s32 $0x1B8E;
	s24 =	sld [smem:$0x3FFE];
	[sflag:s5] =	ssyncadd.remote.s32 @!p0 $0x1  }
0xb4: {  	s26 =	simm.s32 $execute0_lowered;
	[smem:$0x3FD2] =	sst s25  }
0xb5: {  	s6 =	sshll.u32 s26, $0x1;
	_ =	strace $0x80000049;
	[dreg:$0x1] =	wrdreg $0xFFFFFFFF  }
0xb6: {  	s28 =	simm.s32 $_size_execute0_lowered;
	s4 =	sadd.s32 s4, s6;
	[dreg:$0x0] =	wrdreg $0x0  }
0xb7: {  	s6 =	sshll.u32 s28, $0x1;
	[dreg:$0x2] =	wrdreg s4  }
0xb8: {  	[dreg:$0x3] =	wrdreg s6  }
0xb9: {  	[dreg:$0x4] =	wrdreg $0xC0  }
0xba: {  	_ =	task [dreg:s22], $0x5FFFF  }
0xbb: {  	[dreg:$0x1] =	wrdreg $0xFFFFFFFF  }
0xbc: {  	[dreg:$0x0] =	wrdreg $0x60  }
0xbd: {  	[dreg:$0x2] =	wrdreg s18  }
0xbe: {  	[dreg:$0x3] =	wrdreg s24  }
0xbf: {  	[dreg:$0x4] =	wrdreg $0xA  }
0xc0: {  	_ =	task.clear_ibuf [dreg:s22], $0x5FFFF;
	_ =	strace $0x90000049  }
0xc1: {  	s29 =	simm.s32 $0xA;
	_ =	strace $0x8000004B  }
0xc2: {  	_ =	swait.ge [sflag:s29], $0x1  }
0xc3: {  	[sflag:s29] =	ssyncadd.s32 $0xFFFFFFFF  }
0xc4: {  	_ =	strace $0x9000004B  }
0xc5: {  	_ =	sfence  }
0xc6: {  	s30 =	sld [smem:$0x0];
	_ =	sdelay $0x2  }
0xc7: {  	s31 =	sshll.u32 s1, $0xD;
	s1 =	sshrl.u32 s1, $0x2  }
0xc8: {  	s4 =	sand.u32 $0x4000, s31;
	s1 =	sadd.s32 s1, s30  }
0xc9: {  	s0 =	sor.u32 s4, s0;
	s1 =	sshll.u32 s1, $0x11  }
0xca: {  	s0 =	sor.u32 s1, s0  }
0xcb: {  	s0 =	sadd.s32 $0x8F2B, s0  }
0xcc: {  	[sflag:s0] =	ssyncadd.remote.s32 $0x1  }
0xcd: {  	_ =	sfence.sel $0xFFFF  }
0xce: {  	[dreg:$0x0] =	wrdreg $0xFFFFFFFF;
	(pc) =	sbr.abs _section_cstart, $3  }
0xcf: {  	[dreg:$0x1] =	wrdreg $0xFFFFFFFF  }
0xd0: {  	_ =	task.clear_ibuf [dreg:s22], $0x2FFFF;
	_ =	strace $0x9FFFFFFF  }
0xd1: {  	(tm) =	ssettm $0x7FFFFFFF  }
tec
execute0_lowered:
.L_overlay_start_1:
0x0: {  	(tag) =	ssettag $0x1  }
0x1: {  	s2 =	rddreg [dreg:$0x0];
	s1 =	srdreg.scid  }
0x2: {  	s0 =	stileid.u32;
	s4 =	rddreg [dreg:$0x1]  }
0x3: {  	s3 =	simm.s32 $0x0;
	s12 =	simm.s32 $0x2;
	s13 =	simm.s32 $0x5280  }
0x4: {  	s14 =	simm.s32 $0x0;
	s5 =	sand.u32 $0x1, s1;
	s6 =	sshll.u32 s0, $0x1  }
0x5: {  	s1 =	rddreg [dreg:$0x2];
	s9 =	smul.u32 $0x27100, s0;
	s6 =	sor.u32 s5, s6  }
0x6: {  	[smem:$0x7FF] =	sst s3;
	s8 =	ssub.s32 $0x2, s5;
	s7 =	smul.u32 $0x280, s6  }
0x7: {  	_ =	strace $0x8000004A;
	s11 =	smul.u32 $0x13880, s5;
	s10 =	sshrl.u32 s8, $0x1  }
0x8: {  	s6 =	smul.u32 $0x13880, s6;
	s8 =	ssub.s32 s8, s10;
	s7 =	sadd.s32 s7, s4  }
0x9: {  	s10 =	simm.s32 $0x7D;
	s4 =	sadd.s32 $0x11400, s4;
	s5 =	sadd.s32 $0x7400, s7  }
0xa: {  	s31 =	sadd.s32 s4, s6;
	s6 =	smax.u32 s8, $0x1;
	s8 =	sadd.s32 s11, s9  }
0xb: {  	s9 =	simm.s32 $0x3;
	s11 =	simm.s32 $0x1400;
	s7 =	sadd.s32 $0x130B0, s31  }
.LBB2_1:
0xc: {  	[tilespmem:s3], [sflag:$0x3] =	stream.linear.gather [hbm4b:s5+s3], $0x1400, $0x38;
	[tilespmem:$0x9100] =	vst v63  }
0xd: {  	_ =	swait.ge [sflag:s9], $0x1400  }
0xe: {  	s15 =	sand.u32 $0x1, s3;
	[sflag:s9] =	ssyncset.done $0x0  }
0xf: {  	s16 =	simm.s32 $0x80;
	p0 =	seq.s32 s15, $0x1;
	[sflag:s9] =	ssyncadd.s32 $0xFFFFEC00  }
0x10: {  	[tilespmem:s11], [sflag:$0x1] =	stream.indirect.gather [hbm4b:s2+s10], $0x80, s3, s10, $0xb8;
	[tilespmem:$0x9100] =	vst v63  }
0x11: {  	s15 =	simm.s32 @p0 $0x7D;
	s17 =	simm.s32 @p0 $0x1400;
	s18 =	simm.s32 @p0 $0x2  }
0x12: {  	[tilespmem:s17], [sflag:$0x1] =	stream.indirect.gather @p0 [hbm4b:s2+s15], $0x80, s16, s15, $0xb8;
	[tilespmem:$0x9100] =	vst v63  }
0x13: {  	_ =	swait.ge @p0 [sflag:s18], $0x3E80  }
0x14: {  	s20 =	simm.s32 @!p0 $0x1;
	s15 =	simm.s32 @p0 $0x5280;
	[sflag:s18] =	ssyncset.done @p0 $0x0  }
0x15: {  	s17 =	sadd.s32 @p0 s8, s4;
	[sflag:s18] =	ssyncadd.s32 @p0 $0xFFFFC180;
	s18 =	simm.s32 @p0 $0x0  }
0x16: {  	[hbm4b:s17+s18] =	stream.linear.scatter @p0 [tilespmem:s15], [sflag:$0x3], $0x3E80, $0x38;
	[tilespmem:$0x9100] =	vst v63  }
0x17: {  	s15 =	simm.s32 @!p0 $0x7D;
	s17 =	simm.s32 @!p0 $0x5280;
	s18 =	simm.s32 @!p0 $0x4  }
0x18: {  	[tilespmem:s17], [sflag:$0x2] =	stream.indirect.gather @!p0 [hbm4b:s2+s15], $0x80, s16, s15, $0xb8;
	[tilespmem:$0x9100] =	vst v63  }
0x19: {  	s19 =	simm.s32 $0x1;
	s18 =	simm.s32 @p0 $0x3;
	_ =	swait.ge @!p0 [sflag:s20], $0x3E80  }
0x1a: {  	s15 =	sand.u32 @!p0 $0x1FFFFFE0, s8;
	s16 =	simm.s32 @!p0 $0x0;
	[sflag:s20] =	ssyncset.done @!p0 $0x0  }
0x1b: {  	s17 =	simm.s32 @!p0 $0x1400;
	s15 =	sadd.s32 @!p0 s4, s15;
	[sflag:s20] =	ssyncadd.s32 @!p0 $0xFFFFC180  }
0x1c: {  	[hbm4b:s15+s16] =	stream.linear.scatter @!p0 [tilespmem:s17], [sflag:$0x4], $0x3E80, $0x38;
	[tilespmem:$0x9100] =	vst v63  }
0x1d: {  	s19 =	sand.u32 $0x1, s19;
	s17 =	simm.s32 $0x2;
	_ =	swait.ge [sflag:s18], $0x3E80  }
0x1e: {  	s15 =	simm.s32 $0x100;
	s16 =	sadd.s32 $0x7D0, s8;
	[sflag:s18] =	ssyncset.done $0x0  }
.LBB2_2:
0x1f: {  	p0 =	seq.s32 s19, $0x1  }
0x20: {  	[sflag:s18] =	ssyncadd.s32 $0xFFFFC180;
	s19 =	smov.u32 s17;
	s17 =	sadd.s32 $0x1, s17  }
0x21: {  	s18 =	simm.s32 @p0 $0x7D;
	s20 =	simm.s32 @p0 $0x1400;
	s21 =	simm.s32 @p0 $0x2  }
0x22: {  	[tilespmem:s20], [sflag:$0x1] =	stream.indirect.gather @p0 [hbm4b:s2+s18], $0x80, s15, s18, $0xb8;
	[tilespmem:$0x9100] =	vst v63  }
0x23: {  	s20 =	sand.u32 @!p0 $0x1FFFFFE0, s16;
	s18 =	simm.s32 @!p0 $0x4;
	_ =	swait.ge @p0 [sflag:s21], $0x3E80  }
0x24: {  	s22 =	simm.s32 @p0 $0x5280;
	s20 =	sadd.s32 @!p0 s4, s20;
	[sflag:s21] =	ssyncset.done @p0 $0x0  }
0x25: {  	s23 =	simm.s32 @p0 $0x0;
	[sflag:s21] =	ssyncadd.s32 @p0 $0xFFFFC180;
	s21 =	sadd.s32 @p0 s16, s4  }
0x26: {  	[hbm4b:s21+s23] =	stream.linear.scatter @p0 [tilespmem:s22], [sflag:$0x3], $0x3E80, $0x38;
	[tilespmem:$0x9100] =	vst v63  }
0x27: {  	s21 =	simm.s32 @!p0 $0x7D;
	s22 =	simm.s32 @!p0 $0x5280;
	s23 =	simm.s32 @!p0 $0x1  }
0x28: {  	[tilespmem:s22], [sflag:$0x2] =	stream.indirect.gather @!p0 [hbm4b:s2+s21], $0x80, s15, s21, $0xb8;
	[tilespmem:$0x9100] =	vst v63  }
0x29: {  	p1 =	sne.s32 s17, $0x27;
	_ =	swait.ge @!p0 [sflag:s23], $0x3E80  }
.Ltmp0:
0x2a: {  	s18 =	simm.s32 @p0 $0x3;
	[sflag:s23] =	ssyncset.done @!p0 $0x0;
	(pc) =	sbr.rel @p1 .LBB2_2-.Ltmp0, $4  }
0x2b: {  	s21 =	simm.s32 @!p0 $0x0;
	s22 =	simm.s32 @!p0 $0x1400;
	[sflag:s23] =	ssyncadd.s32 @!p0 $0xFFFFC180  }
0x2c: {  	[hbm4b:s20+s21] =	stream.linear.scatter @!p0 [tilespmem:s22], [sflag:$0x4], $0x3E80, $0x38;
	[tilespmem:$0x9100] =	vst v63  }
0x2d: {  	s15 =	sadd.s32 $0x80, s15;
	_ =	swait.ge [sflag:s18], $0x3E80  }
0x2e: {  	s19 =	sand.u32 $0x1, s19;
	s16 =	sadd.s32 $0x7D0, s16;
	[sflag:s18] =	ssyncset.done $0x0  }
0x2f: {  	p0 =	seq.s32 s19, $0x1;
	[sflag:s18] =	ssyncadd.s32 $0xFFFFC180  }
0x30: {  	s17 =	simm.s32 @p0 $0x7D;
	s18 =	simm.s32 @p0 $0x1400;
	s19 =	simm.s32 @p0 $0x2  }
0x31: {  	[tilespmem:s18], [sflag:$0x1] =	stream.indirect.gather @p0 [hbm4b:s2+s17], $0x80, s15, s17, $0xb8;
	[tilespmem:$0x9100] =	vst v63  }
0x32: {  	_ =	swait.ge @p0 [sflag:s19], $0x3E80  }
0x33: {  	s17 =	simm.s32 @p0 $0x5280;
	[sflag:s19] =	ssyncset.done @p0 $0x0  }
0x34: {  	s18 =	sadd.s32 @p0 s16, s4;
	[sflag:s19] =	ssyncadd.s32 @p0 $0xFFFFC180;
	s19 =	simm.s32 @p0 $0x0  }
0x35: {  	[hbm4b:s18+s19] =	stream.linear.scatter @p0 [tilespmem:s17], [sflag:$0x3], $0x3E80, $0x38;
	[tilespmem:$0x9100] =	vst v63  }
0x36: {  	s17 =	simm.s32 @!p0 $0x7D;
	s18 =	simm.s32 @!p0 $0x5280;
	s19 =	simm.s32 @!p0 $0x1  }
0x37: {  	[tilespmem:s18], [sflag:$0x2] =	stream.indirect.gather @!p0 [hbm4b:s2+s17], $0x80, s15, s17, $0xb8;
	[tilespmem:$0x9100] =	vst v63  }
0x38: {  	s15 =	sand.u32 @!p0 $0x1FFFFFE0, s16;
	s16 =	simm.s32 @!p0 $0x4;
	_ =	swait.ge @!p0 [sflag:s19], $0x3E80  }
0x39: {  	s17 =	simm.s32 @!p0 $0x0;
	s18 =	simm.s32 @!p0 $0x1400;
	[sflag:s19] =	ssyncset.done @!p0 $0x0  }
0x3a: {  	s15 =	sadd.s32 @!p0 s4, s15;
	s16 =	simm.s32 @p0 $0x3;
	[sflag:s19] =	ssyncadd.s32 @!p0 $0xFFFFC180  }
0x3b: {  	[hbm4b:s15+s17] =	stream.linear.scatter @!p0 [tilespmem:s18], [sflag:$0x4], $0x3E80, $0x38;
	[tilespmem:$0x9100] =	vst v63  }
0x3c: {  	_ =	swait.ge [sflag:s16], $0x3E80  }
0x3d: {  	[sflag:s16] =	ssyncset.done $0x0  }
0x3e: {  	[sflag:s16] =	ssyncadd.s32 $0xFFFFC180  }
0x3f: {  	s14 =	sadd.s32 $0x1, s14;
	_ =	swait.ge [sflag:s12], $0x3E80  }
0x40: {  	p0 =	sne.s32 s14, s6;
	[sflag:s12] =	ssyncset.done $0x0  }
.Ltmp1:
0x41: {  	[sflag:s12] =	ssyncadd.s32 $0xFFFFC180;
	(pc) =	sbr.rel @p0 .LBB2_1-.Ltmp1, $4  }
0x42: {  	[hbm4b:s7+s3] =	stream.linear.scatter [tilespmem:s13], [sflag:$0x3], $0x3E80, $0x38;
	[tilespmem:$0x9100] =	vst v63  }
0x43: {  	_ =	swait.ge [sflag:s9], $0x3E80  }
0x44: {  	[sflag:s9] =	ssyncset.done $0x0  }
0x45: {  	[sflag:s9] =	ssyncadd.s32 $0xFFFFC180  }
0x46: {  	_ =	sfence.sel $0x180000  }
0x47: {  	[bflag:$0x0] =	sbarrier.arrive $0xFFFF  }
0x48: {  	p0 =	sne.s32 s0, $0x0;
	_ =	strace $0x9000004A  }
0x49: {  	s0 =	sadd.s32 @!p0 $0x100000, s1;
	[bflag:$0x2] =	sbarrier.arrive $0xFFFF  }
0x4a: {  	[sflag:s0] =	ssyncadd.tile.s32 @!p0 $0x1;
	_ =	shalt  }
.Lfunc_end2:
_tile_overlayer_lowered:
.L_overlay_start_2:
0x4b: {  	(tag) =	ssettag $0x2  }
0x4c: {  	s0 =	rddreg [dreg:$0x0];
	s2 =	stileid.u32  }
0x4d: {  	s1 =	rddreg [dreg:$0x1];
	p0 =	sne.s32 s2, $0x0  }
0x4e: {  	s3 =	rddreg [dreg:$0x2];
	[bflag:$0x3] =	sbarrier.arrive $0xFFFF;
	s2 =	simm.s32 @!p0 $0x1C03  }
0x4f: {  	[timem:s3], [sflag:s2] =	dma.local @!p0 [hbm:s0], s1  }
0x50: {  	s0 =	simm.s32 @!p0 $0x3  }
0x51: {  	_ =	swait.ge @!p0 [sflag:s0], s1  }
0x52: {  	s1 =	ssub.s32 @!p0 $0x0, s1;
	[sflag:s0] =	ssyncset.done @!p0 $0x0  }
0x53: {  	[sflag:s0] =	ssyncadd.s32 @!p0 s1  }
0x54: {  	[bflag:$0x3] =	sbarrier.arrive $0xFFFF  }
0x55: {  	_ =	shalt  }

// kernel: kernel.9.cloned.1.call-start
scs
__scs_entry_jumppad:
0x0: {  	(pc) =	sbr.rel $0x88, $3  }
0x1: {  	(tag) =	ssettag $0x0;
	lr =	simm.s32 $0x1  }
0x2: {  	[smem:$0x3F9A] =	sst lr;
	_ =	strace $0xD0000000  }
0x3: {  	_ = 	snop  }
0x4: {  	_ = 	snop  }
0x5: {  	_ = 	snop  }
0x6: {  	_ = 	snop  }
0x7: {  	_ = 	snop  }
__scs_overlays_trampoline_lowered:
0x8: {  	[smem:$0x3FA9] =	sst s0  }
0x9: {  	[smem:$0x3FAA] =	sst s1  }
0xa: {  	[smem:$0x3FAB] =	sst s2  }
0xb: {  	[smem:$0x3FAC] =	sst s3  }
0xc: {  	[smem:$0x3FAD] =	sst s4  }
0xd: {  	[smem:$0x3FAE] =	sst s5  }
0xe: {  	[smem:$0x3FAF] =	sst s6  }
0xf: {  	[smem:$0x3FB0] =	sst s7  }
0x10: {  	[smem:$0x3FB1] =	sst s8  }
0x11: {  	[smem:$0x3FB2] =	sst s9;
	s0 =	simm.s32 @!p0 $0x0  }
0x12: {  	s1 =	sld [smem:$0x3F98];
	s0 =	simm.s32 @p0 $0x1  }
0x13: {  	[smem:$0x3FB3] =	sst s0;
	s0 =	simm.s32 @!p1 $0x0  }
0x14: {  	s2 =	sld [smem:$0x3F97];
	s0 =	simm.s32 @p1 $0x1  }
0x15: {  	[smem:$0x3FB4] =	sst s0;
	s0 =	simm.s32 @!p2 $0x0  }
0x16: {  	s3 =	sld [smem:$0x3FDB];
	s0 =	simm.s32 @p2 $0x1  }
0x17: {  	s4 =	simm.s32 $0x1BF5;
	[smem:$0x3FB6] =	sst s0  }
0x18: {  	s0 =	sld [smem:$0x3F99];
	_ =	swait.ge [sflag:s4], $0x0  }
0x19: {  	s7 =	sld [smem:$0x3F9A]  }
0x1a: {  	s8 =	sadd.s32 $0xFFFFE003, lr  }
0x1b: {  	s9 =	sadd.s32 $0xFFFFFEF7, lr;
	s5 =	simm.s32 $0xFFFFFFFF;
	p2 =	slt.u32 s8, $0xFFFFF086  }
0x1c: {  	p1 =	slt.u32 s9, $0xF7A;
	s5 =	simm.s32 @!p2 $0x0  }
0x1d: {  	s5 =	simm.s32 @p1 $0x1;
	p0 =	seq.s32 s7, s2  }
0x1e: {  	s7 =	smul.u32 @!p0 $0xF7A, s2;
	p2 =	seq.s32 @!p0 s5, $0x0  }
0x1f: {  	s9 =	smul.u32 $0xF7A, s1;
	s8 =	simm.s32 @!p0 $0x1BF5;
	p2 =	por !p2, p0  }
0x20: {  	[sflag:s8] =	ssyncset.s32 @!p0 $0xFFFFF086;
	s6 =	sadd.s32 @!p0 s3, s7;
	s7 =	simm.s32 @!p0 $0x108  }
0x21: {  	s3 =	sadd.s32 s3, s9;
	s6 =	sadd.s32 @!p0 $0x88, s6;
	s7 =	simm.s32 @p2 $0x1082  }
0x22: {  	[simem:s7], [sflag:s8] =	dma.local @!p0 [hbm:s6], $0xF7A  }
0x23: {  	s9 =	sor.u32 $0xD0000000, s2;
	s6 =	simm.s32 $0x108;
	_ =	swait.ge @!p0 [sflag:s8], $0x0  }
0x24: {  	s3 =	sadd.s32 $0x88, s3;
	s6 =	simm.s32 @!p1 $0x1082;
	[sflag:s4] =	ssyncset.s32 $0xFFFFF086  }
0x25: {  	[simem:s6], [sflag:s4] =	dma.local [hbm:s3], $0xF7A  }
0x26: {  	[smem:$0x3F9A] =	sst s1;
	(tag) =	ssettag s2;
	_ =	strace s9  }
0x27: {  	s1 =	sld [smem:$0x3FAA]  }
0x28: {  	s2 =	sld [smem:$0x3FAB]  }
0x29: {  	s4 =	sld [smem:$0x3FAD]  }
0x2a: {  	p0 =	seq.s32 s5, $0x0;
	s5 =	sld [smem:$0x3FAE]  }
0x2b: {  	s6 =	sld [smem:$0x3FAF]  }
0x2c: {  	s7 =	sld [smem:$0x3FB0]  }
0x2d: {  	s3 =	simm.s32 $0x108;
	s8 =	sld [smem:$0x3FB1]  }
0x2e: {  	s3 =	simm.s32 @!p0 $0x1082;
	s9 =	sld [smem:$0x3FB2]  }
0x2f: {  	lr =	sadd.s32 s0, s3;
	s0 =	sld [smem:$0x3FA9]  }
0x30: {  	s3 =	sld [smem:$0x3FAC]  }
0x31: {  	[smem:$0x3FB5] =	sst s10  }
0x32: {  	s10 =	sld [smem:$0x3FB3];
	_ =	sdelay $0x3  }
0x33: {  	p0 =	seq.s32 s10, $0x1;
	s10 =	sld [smem:$0x3FB5];
	_ =	sdelay $0x3  }
0x34: {  	[smem:$0x3FB5] =	sst s10  }
0x35: {  	s10 =	sld [smem:$0x3FB4];
	_ =	sdelay $0x3  }
0x36: {  	p1 =	seq.s32 s10, $0x1;
	s10 =	sld [smem:$0x3FB5];
	_ =	sdelay $0x3  }
0x37: {  	[smem:$0x3FB5] =	sst s10  }
0x38: {  	s10 =	sld [smem:$0x3FB6]  }
0x39: {  	_ = 	snop;
	(pc) =	sbr.ind lr, $3  }
0x3a: {  	_ = 	snop  }
0x3b: {  	_ = 	snop  }
0x3c: {  	p2 =	seq.s32 s10, $0x1;
	s10 =	sld [smem:$0x3FB5]  }
0x3d: {  	_ =	shalt  }
0x3e: {  	_ =	shalt  }
0x3f: {  	_ =	shalt  }
0x40: {  	_ =	shalt  }
0x41: {  	_ =	shalt  }
0x42: {  	_ =	shalt  }
0x43: {  	_ =	shalt  }
0x44: {  	_ =	shalt  }
0x45: {  	_ =	shalt  }
0x46: {  	_ =	shalt  }
0x47: {  	_ =	shalt  }
0x48: {  	_ =	shalt  }
0x49: {  	_ =	shalt  }
0x4a: {  	_ =	shalt  }
0x4b: {  	_ =	shalt  }
0x4c: {  	_ =	shalt  }
0x4d: {  	_ =	shalt  }
0x4e: {  	_ =	shalt  }
0x4f: {  	_ =	shalt  }
0x50: {  	_ =	shalt  }
0x51: {  	_ =	shalt  }
0x52: {  	_ =	shalt  }
0x53: {  	_ =	shalt  }
0x54: {  	_ =	shalt  }
0x55: {  	_ =	shalt  }
0x56: {  	_ =	shalt  }
0x57: {  	_ =	shalt  }
0x58: {  	_ =	shalt  }
0x59: {  	_ =	shalt  }
0x5a: {  	_ =	shalt  }
0x5b: {  	_ =	shalt  }
0x5c: {  	_ =	shalt  }
0x5d: {  	_ =	shalt  }
0x5e: {  	_ =	shalt  }
0x5f: {  	_ =	shalt  }
0x60: {  	_ =	shalt  }
0x61: {  	_ =	shalt  }
0x62: {  	_ =	shalt  }
0x63: {  	_ =	shalt  }
0x64: {  	_ =	shalt  }
0x65: {  	_ =	shalt  }
0x66: {  	_ =	shalt  }
0x67: {  	_ =	shalt  }
0x68: {  	_ =	shalt  }
0x69: {  	_ =	shalt  }
0x6a: {  	_ =	shalt  }
0x6b: {  	_ =	shalt  }
0x6c: {  	_ =	shalt  }
0x6d: {  	_ =	shalt  }
0x6e: {  	_ =	shalt  }
0x6f: {  	_ =	shalt  }
0x70: {  	_ =	shalt  }
0x71: {  	_ =	shalt  }
0x72: {  	_ =	shalt  }
0x73: {  	_ =	shalt  }
0x74: {  	_ =	shalt  }
0x75: {  	_ =	shalt  }
0x76: {  	_ =	shalt  }
0x77: {  	_ =	shalt  }
0x78: {  	_ =	shalt  }
0x79: {  	_ =	shalt  }
0x7a: {  	_ =	shalt  }
0x7b: {  	_ =	shalt  }
0x7c: {  	_ =	shalt  }
0x7d: {  	_ =	shalt  }
0x7e: {  	_ =	shalt  }
0x7f: {  	_ =	shalt  }
0x80: {  	_ =	shalt  }
0x81: {  	_ =	shalt  }
0x82: {  	_ =	shalt  }
0x83: {  	_ =	shalt  }
0x84: {  	_ =	shalt  }
0x85: {  	_ =	shalt  }
0x86: {  	_ =	shalt  }
0x87: {  	_ =	shalt  }
.Lfunc_end0:
.L_simem_size_0:
called_computation.2_lowered:
.L_overlay_start_0:
0x88: {  	s2 =	sld [smem:$0x3FD9]  }
0x89: {  	s3 =	sld [smem:$0x3FFE];
	_ =	sdelay $0x1  }
0x8a: {  	s1 =	srdreg.scid  }
0x8b: {  	s0 =	sand.u32 $0x1, s1  }
0x8c: {  	s17 =	sshll.u32 s0, $0xA;
	s2 =	sadd.s32 s3, s2  }
0x8d: {  	s2 =	sadd.s32 s2, s17  }
0x8e: {  	[smem:$0x3FC1] =	sst s2  }
0x8f: {  	_ = 	snop  }
0x90: {  	s2 =	sld [smem:$0x3FD0];
	(tm) =	ssettm $0x1  }
0x91: {  	s18 =	sld [smem:$0x3FFB];
	_ =	sdelay $0x3  }
0x92: {  	_ =	strace s18  }
0x93: {  	s3 =	sld [smem:$0x3FFC];
	_ =	sdelay $0x3  }
0x94: {  	_ =	strace s3  }
0x95: {  	s3 =	sld [smem:$0x3FFD];
	_ =	sdelay $0x3  }
0x96: {  	_ =	strace s3  }
0x97: {  	_ =	strace $0x8FFFFFFF  }
0x98: {  	s19 =	sld [smem:$0x3FDB];
	_ =	sdelay $0x1  }
0x99: {  	s4 =	simm.s32 $_scs_section_size  }
0x9a: {  	s5 =	simm.s32 $_size__tile_overlayer_lowered;
	s6 =	simm.s32 $_tile_overlayer_lowered  }
0x9b: {  	s22 =	simm.s32 $0x1BFF;
	s21 =	sshll.u32 s6, $0x1;
	s3 =	sadd.s32 s4, s19  }
0x9c: {  	s7 =	simm.s32 $0x0;
	s20 =	sshll.u32 s5, $0x1;
	s5 =	sadd.s32 s21, s3  }
0x9d: {  	[timem:s7], [sflag:s22] =	dma.local [hbm:s5], s20  }
0x9e: {  	_ =	swait.ge [sflag:s22], s20  }
0x9f: {  	s4 =	ssub.s32 $0x0, s20;
	[sflag:s22] =	ssyncset.done $0x0  }
0xa0: {  	[sflag:s22] =	ssyncadd.s32 s4;
	_ =	sdelay $0x1  }
0xa1: {  	s23 =	simm.s32 $0x1B8B  }
0xa2: {  	_ =	swait.ge [sflag:s23], $0x1  }
0xa3: {  	[sflag:s23] =	ssyncset.done $0x0  }
0xa4: {  	s25 =	simm.s32 $0x1B8E;
	s24 =	sld [smem:$0x3FFE];
	[sflag:s23] =	ssyncadd.s32 $0xFFFFFFFF  }
0xa5: {  	s26 =	simm.s32 $execute0_lowered;
	[smem:$0x3FD2] =	sst s25  }
0xa6: {  	s5 =	sshll.u32 s26, $0x1;
	_ =	strace $0x8000004C;
	[dreg:$0x1] =	wrdreg $0xFFFFFFFF  }
0xa7: {  	s28 =	simm.s32 $_size_execute0_lowered;
	s3 =	sadd.s32 s3, s5;
	[dreg:$0x0] =	wrdreg $0x0  }
0xa8: {  	s5 =	sshll.u32 s28, $0x1;
	[dreg:$0x2] =	wrdreg s3  }
0xa9: {  	[dreg:$0x3] =	wrdreg s5  }
0xaa: {  	[dreg:$0x4] =	wrdreg $0xC0  }
0xab: {  	_ =	task [dreg:s7], $0x5FFFF  }
0xac: {  	[dreg:$0x1] =	wrdreg $0xFFFFFFFF  }
0xad: {  	[dreg:$0x0] =	wrdreg $0x60  }
0xae: {  	[dreg:$0x2] =	wrdreg s24  }
0xaf: {  	[dreg:$0x3] =	wrdreg s2  }
0xb0: {  	[dreg:$0x4] =	wrdreg $0x173900  }
0xb1: {  	[dreg:$0x5] =	wrdreg $0x9  }
0xb2: {  	_ =	task.clear_ibuf [dreg:s7], $0x6FFFF;
	_ =	strace $0x9000004C  }
0xb3: {  	s29 =	simm.s32 $0x9;
	_ =	strace $0x8000004E  }
0xb4: {  	_ =	swait.ge [sflag:s29], $0x1  }
0xb5: {  	[sflag:s29] =	ssyncadd.s32 $0xFFFFFFFF  }
0xb6: {  	_ =	strace $0x9000004E  }
0xb7: {  	_ =	sfence  }
0xb8: {  	s30 =	sld [smem:$0x0];
	_ =	sdelay $0x2  }
0xb9: {  	s31 =	sshll.u32 s1, $0xD;
	s1 =	sshrl.u32 s1, $0x2  }
0xba: {  	s3 =	sand.u32 $0x4000, s31;
	s1 =	sadd.s32 s1, s30  }
0xbb: {  	s0 =	sor.u32 s3, s0;
	s1 =	sshll.u32 s1, $0x11  }
0xbc: {  	s0 =	sor.u32 s1, s0  }
0xbd: {  	s0 =	sadd.s32 $0x8F2B, s0  }
0xbe: {  	[sflag:s0] =	ssyncadd.remote.s32 $0x1  }
0xbf: {  	_ =	sfence.sel $0xFFFF  }
0xc0: {  	[dreg:$0x0] =	wrdreg $0xFFFFFFFF;
	(pc) =	sbr.abs _section_cstart, $3  }
0xc1: {  	[dreg:$0x1] =	wrdreg $0xFFFFFFFF  }
0xc2: {  	_ =	task.clear_ibuf [dreg:s7], $0x2FFFF;
	_ =	strace $0x9FFFFFFF  }
0xc3: {  	(tm) =	ssettm $0x7FFFFFFF  }
tec
execute0_lowered:
.L_overlay_start_1:
0x0: {  	(tag) =	ssettag $0x1  }
0x1: {  	s5 =	rddreg [dreg:$0x0]  }
0x2: {  	s1 =	srdreg.scid;
	s6 =	rddreg [dreg:$0x1]  }
0x3: {  	s0 =	stileid.u32;
	s2 =	rddreg [dreg:$0x2]  }
0x4: {  	s4 =	sand.u32 $0x1, s1;
	s31 =	sshll.u32 s0, $0x1;
	s9 =	smul.u32 $0x2710, s0  }
0x5: {  	s3 =	simm.s32 $0x0;
	s1 =	sor.u32 s4, s31;
	s10 =	smul.u32 $0x27100, s4  }
0x6: {  	s13 =	simm.s32 $0x0;
	[smem:$0x7FF] =	sst s3;
	s7 =	smul.u32 $0x2710, s1  }
0x7: {  	s4 =	ssub.s32 $0x2, s4;
	s8 =	smul.u32 $0x280, s1;
	s1 =	rddreg [dreg:$0x3]  }
0x8: {  	_ =	strace $0x8000004D;
	s11 =	sshrl.u32 s4, $0x1;
	s12 =	sshrl.u32 s9, $0x3  }
0x9: {  	s10 =	sadd.s32 s9, s10;
	s11 =	ssub.s32 s4, s11;
	s4 =	sadd.s32 s6, s12  }
0xa: {  	s12 =	simm.s32 $0x7D;
	s7 =	sadd.s32 s7, s5;
	s10 =	sshrl.u32 s10, $0x3  }
0xb: {  	s8 =	sadd.s32 s8, s5;
	s10 =	sadd.s32 s10, s5;
	s5 =	sadd.s32 s9, s2  }
0xc: {  	s6 =	sadd.s32 $0x4F3400, s8;
	s7 =	sadd.s32 $0x2400, s7;
	s9 =	smax.u32 s11, $0x1  }
0xd: {  	s11 =	simm.s32 $0x1;
	s8 =	sadd.s32 $0x50600, s10;
	s10 =	simm.s32 $0x14C80  }
.LBB2_1:
0xe: {  	[tilespmem:s10], [sflag:$0x1] =	stream.linear.gather [hbm4b:s4+s3], $0x2710, $0x38;
	[tilespmem:$0x19AA0] =	vst v63  }
0xf: {  	_ =	swait.ge [sflag:s11], $0x2710  }
0x10: {  	[sflag:s11] =	ssyncset.done $0x0  }
0x11: {  	[sflag:s11] =	ssyncadd.s32 $0xFFFFD8F0  }
0x12: {  	[spmem:s5] =	stream.linear.scatter [tilespmem:s10], [sflag:$0x1], $0x2710, $0x38;
	[tilespmem:$0x19AA0] =	vst v63  }
0x13: {  	_ =	swait.ge [sflag:s11], $0x2710  }
0x14: {  	[sflag:s11] =	ssyncset.done $0x0  }
0x15: {  	[sflag:s11] =	ssyncadd.s32 $0xFFFFD8F0  }
0x16: {  	[tilespmem:s3], [sflag:$0x1] =	stream.linear.gather [hbm4b:s6+s3], $0x1400, $0x38;
	[tilespmem:$0x19AA0] =	vst v63  }
0x17: {  	_ =	swait.ge [sflag:s11], $0x1400  }
0x18: {  	[sflag:s11] =	ssyncset.done $0x0  }
0x19: {  	s14 =	simm.s32 $0x1400;
	[sflag:s11] =	ssyncadd.s32 $0xFFFFEC00  }
0x1a: {  	[tilespmem:s14], [sflag:$0x1] =	stream.linear.gather [hbm4b:s7+s3], $0x13880, $0x38;
	[tilespmem:$0x19AA0] =	vst v63  }
0x1b: {  	_ =	swait.ge [sflag:s11], $0x13880  }
0x1c: {  	[sflag:s11] =	ssyncset.done $0x0  }
0x1d: {  	[sflag:s11] =	ssyncadd.s32 $0xFFFEC780  }
0x1e: {  	s15 =	simm.s32 $0x0;
	[bflag:$0x0] =	sbarrier.arrive $0xFFFF  }
0x1f: {  	[spmem:s2] =	stream.indirect.scatter.add.f32 [tilespmem:s14], [sflag:$0x1], $0x10, s15, s12, $0xb8;
	[tilespmem:$0x19AA0] =	vst v63  }
0x20: {  	_ =	swait.ge [sflag:s11], $0x7D0  }
0x21: {  	s15 =	simm.s32 $0x200;
	[sflag:s11] =	ssyncset.done $0x0  }
.LBB2_2:
0x22: {  	s16 =	sshra.s32 s15, $0x2  }
0x23: {  	[sflag:s11] =	ssyncadd.s32 $0xFFFFF830;
	s14 =	sadd.s32 $0x7D0, s14;
	p0 =	sne.s32 s15, $0x4E00  }
0x24: {  	[spmem:s2] =	stream.indirect.scatter.add.f32 [tilespmem:s14], [sflag:$0x1], $0x10, s16, s12, $0xb8;
	[tilespmem:$0x19AA0] =	vst v63  }
.Ltmp0:
0x25: {  	_ = 	snop;
	(pc) =	sbr.rel @p0 .LBB2_2-.Ltmp0, $4  }
0x26: {  	_ = 	snop  }
0x27: {  	s15 =	sadd.s32 $0x200, s15  }
0x28: {  	_ =	swait.ge [sflag:s11], $0x7D0  }
0x29: {  	[sflag:s11] =	ssyncset.done $0x0  }
0x2a: {  	[sflag:s11] =	ssyncadd.s32 $0xFFFFF830  }
0x2b: {  	[bflag:$0x0] =	sbarrier.arrive $0xFFFF  }
0x2c: {  	[tilespmem:s10], [sflag:$0x1] =	stream.linear.gather [spmem:s5], $0x2710, $0x38;
	[tilespmem:$0x19AA0] =	vst v63  }
0x2d: {  	s13 =	sadd.s32 $0x1, s13;
	_ =	swait.ge [sflag:s11], $0x2710  }
0x2e: {  	p0 =	sne.s32 s13, s9;
	[sflag:s11] =	ssyncset.done $0x0  }
.Ltmp1:
0x2f: {  	[sflag:s11] =	ssyncadd.s32 $0xFFFFD8F0;
	(pc) =	sbr.rel @p0 .LBB2_1-.Ltmp1, $4  }
0x30: {  	[hbm4b:s8+s3] =	stream.linear.scatter [tilespmem:s10], [sflag:$0x1], $0x2710, $0x38;
	[tilespmem:$0x19AA0] =	vst v63  }
0x31: {  	_ =	swait.ge [sflag:s11], $0x2710  }
0x32: {  	[sflag:s11] =	ssyncset.done $0x0  }
0x33: {  	[sflag:s11] =	ssyncadd.s32 $0xFFFFD8F0  }
0x34: {  	_ =	sfence.sel $0x180000  }
0x35: {  	[bflag:$0x0] =	sbarrier.arrive $0xFFFF  }
0x36: {  	p0 =	sne.s32 s0, $0x0;
	_ =	strace $0x9000004D  }
0x37: {  	s0 =	sadd.s32 @!p0 $0x100000, s1;
	[bflag:$0x2] =	sbarrier.arrive $0xFFFF  }
0x38: {  	[sflag:s0] =	ssyncadd.tile.s32 @!p0 $0x1;
	_ =	shalt  }
.Lfunc_end2:
_tile_overlayer_lowered:
.L_overlay_start_2:
0x39: {  	(tag) =	ssettag $0x2  }
0x3a: {  	s0 =	rddreg [dreg:$0x0];
	s2 =	stileid.u32  }
0x3b: {  	s1 =	rddreg [dreg:$0x1];
	p0 =	sne.s32 s2, $0x0  }
0x3c: {  	s3 =	rddreg [dreg:$0x2];
	[bflag:$0x3] =	sbarrier.arrive $0xFFFF;
	s2 =	simm.s32 @!p0 $0x1C01  }
0x3d: {  	[timem:s3], [sflag:s2] =	dma.local @!p0 [hbm:s0], s1  }
0x3e: {  	s0 =	simm.s32 @!p0 $0x1  }
0x3f: {  	_ =	swait.ge @!p0 [sflag:s0], s1  }
0x40: {  	s1 =	ssub.s32 @!p0 $0x0, s1;
	[sflag:s0] =	ssyncset.done @!p0 $0x0  }
0x41: {  	[sflag:s0] =	ssyncadd.s32 @!p0 s1  }
0x42: {  	[bflag:$0x3] =	sbarrier.arrive $0xFFFF  }
0x43: {  	_ =	shalt  }

</sc_bundles>
